<compile_context>
chip_gen: v7x
topology: tpu7x:2x2x1
jax: 0.10.2.dev20260603
libtpu: 0.0.44.dev20260713+nightly
codegen_flags: <defaults>
</compile_context>

<pallas_src>
import jax
import jax.numpy as jnp
from jax import lax
from jax.experimental import pallas as pl
from jax.experimental.pallas import tpu as pltpu
from jax.experimental.pallas import tpu_sc as plsc

N_NODES = 10000
N_EDGES = 160000
D = 256
DW = D // 2
NW = 32
NPW = 320
B = 128
RPW = 360
RPV = 384
RP_LAST_START = ((N_NODES + 1 - RPW) // 8) * 8
NEG_INF = float("-inf")
NCH = DW // 16


def _body(rp_hbm, el_hbm, col_hbm, feat_hbm, out_hbm, rp_v, el_v,
          idx0_v, idx1_v, rows0_v, rows1_v, out_v,
          g00, g01, g10, g11, isem0, isem1):
    idxs = (idx0_v, idx1_v)
    rows = (rows0_v, rows1_v)
    gsems = ((g00, g01), (g10, g11))
    isems = (isem0, isem1)
    wid = lax.axis_index("s") * 2 + lax.axis_index("c")
    nbase = pl.multiple_of(wid * NPW, 8)
    wstart = pl.multiple_of(jnp.minimum(nbase, RP_LAST_START), 8)
    o = nbase - wstart
    nlim = jnp.minimum(NPW, N_NODES - nbase)
    pltpu.sync_copy(rp_hbm.at[pl.ds(wstart, RPW)], rp_v.at[pl.ds(0, RPW)])
    pltpu.sync_copy(el_hbm, el_v)

    def rp_at(n):
        return rp_v[pl.ds(n + o, 16)][0]

    e_lo = rp_at(0)
    islast = o > 0
    e_hi = jnp.where(islast, el_v[pl.ds(0, 16)][0], rp_v[pl.ds(NPW, 16)][0])
    rp_v[pl.ds(nlim + o, 16)] = jnp.broadcast_to(e_hi, (16,))

    base8 = lax.bitwise_and(e_lo, -8)
    nblk = lax.div(e_hi - base8 + (B - 1), B)

    ninf = jnp.full((32,), NEG_INF, jnp.bfloat16)

    def col_window(b):
        estart = base8 + b * B
        return pl.multiple_of(jnp.minimum(estart, N_EDGES - B), 8)

    def issue_idx(b, buf):
        @pl.when(b < nblk)
        def _():
            pltpu.async_copy(col_hbm.at[pl.ds(col_window(b), B)],
                             idxs[buf], isems[buf])

    NSTR = 2
    H = B // NSTR

    def issue_gather(b, buf):
        @pl.when(b < nblk)
        def _():
            pltpu.make_async_copy(col_hbm.at[pl.ds(col_window(b), B)],
                                  idxs[buf], isems[buf]).wait()
            for q in range(NSTR):
                pltpu.async_copy(
                    feat_hbm.at[idxs[buf].at[pl.ds(q * H, H)]],
                    rows[buf].at[pl.ds(q * H, H)], gsems[buf][q])

    def wait(b, buf):
        @pl.when(b < nblk)
        def _():
            for q in range(NSTR):
                pltpu.make_async_copy(
                    feat_hbm.at[idxs[buf].at[pl.ds(q * H, H)]],
                    rows[buf].at[pl.ds(q * H, H)], gsems[buf][q]).wait()

    def flush(cur, accs):
        for k in range(NCH):
            out_v[cur, pl.ds(16 * k, 16)] = plsc.bitcast(accs[k], jnp.int32)

    def compute(b, buf, carry):
        estart = base8 + b * B
        d = jnp.maximum(0, estart - (N_EDGES - B))
        j_lo = jnp.maximum(0, e_lo - estart)
        j_hi = jnp.minimum(B, e_hi - estart)

        def ocond(st):
            return st[0] < j_hi

        def obody(st):
            j, cur, nxt = st[0], st[1], st[2]
            accs = st[3:]
            jn = jnp.maximum(j, jnp.minimum(j_hi, nxt - estart))

            def ibody(jj, iaccs):
                new = []
                for k in range(NCH):
                    row = plsc.bitcast(
                        rows[buf][jj + d, pl.ds(16 * k, 16)], jnp.bfloat16)
                    new.append(jnp.maximum(iaccs[k], row))
                return tuple(new)

            accs = lax.fori_loop(j, jn, ibody, accs)
            do_flush = jn < j_hi

            @pl.when(do_flush)
            def _():
                flush(cur, accs)

            nxt2 = rp_at(cur + 2)
            cur = jnp.where(do_flush, cur + 1, cur)
            nxt = jnp.where(do_flush, nxt2, nxt)
            accs = tuple(jnp.where(do_flush, ninf, a) for a in accs)
            return (jn, cur, nxt) + accs

        out = lax.while_loop(ocond, obody, (j_lo,) + carry)
        return out[1:]

    carry0 = (jnp.int32(0), rp_at(1)) + tuple(ninf for _ in range(NCH))
    issue_idx(0, 0)
    issue_gather(0, 0)
    issue_idx(1, 1)

    def outer(bb, carry):
        b = 2 * bb
        issue_gather(b + 1, 1)
        wait(b, 0)
        issue_idx(b + 2, 0)
        carry = compute(b, 0, carry)
        issue_gather(b + 2, 0)
        wait(b + 1, 1)
        issue_idx(b + 3, 1)
        carry = compute(b + 1, 1, carry)
        return carry

    carry = lax.fori_loop(0, lax.div(nblk + 1, 2), outer, carry0)

    cur = carry[0]
    flush(cur, carry[2:])
    ninf_tuple = tuple(ninf for _ in range(NCH))

    def tail(c, _):
        flush(c, ninf_tuple)
        return 0

    lax.fori_loop(cur + 1, NPW, tail, 0)

    pltpu.sync_copy(out_v.at[pl.ds(0, NPW)], out_hbm.at[pl.ds(nbase, NPW)])


@jax.jit
def kernel(row_ptr, col_idx, node_feat):
    e_last = jnp.broadcast_to(row_ptr[N_NODES], (16,))
    u = lax.bitcast_convert_type(node_feat, jnp.uint32)
    r = u + jnp.uint32(0x7FFF) + ((u >> 16) & jnp.uint32(1))
    w = (r[:, :DW] >> 16) | (r[:, DW:] & jnp.uint32(0xFFFF0000))
    feat_w = lax.bitcast_convert_type(w, jnp.int32)

    mesh = plsc.VectorSubcoreMesh(core_axis_name="c", subcore_axis_name="s")
    out_w = pl.kernel(
        _body,
        out_type=jax.ShapeDtypeStruct((NW * NPW, DW), jnp.int32),
        mesh=mesh,
        compiler_params=pltpu.CompilerParams(needs_layout_passes=False),
        scratch_types=[
            pltpu.VMEM((RPV,), jnp.int32),
            pltpu.VMEM((16,), jnp.int32),
            pltpu.VMEM((B,), jnp.int32),
            pltpu.VMEM((B,), jnp.int32),
            pltpu.VMEM((B, DW), jnp.int32),
            pltpu.VMEM((B, DW), jnp.int32),
            pltpu.VMEM((NPW, DW), jnp.int32),
        ] + [pltpu.SemaphoreType.DMA] * 6,
    )(row_ptr, e_last, col_idx, feat_w)
    ow = lax.bitcast_convert_type(out_w[:N_NODES], jnp.uint32)
    lo = lax.bitcast_convert_type(ow << 16, jnp.float32)
    hi = lax.bitcast_convert_type(ow & jnp.uint32(0xFFFF0000), jnp.float32)
    return jnp.concatenate([lo, hi], axis=1)

# --- scband reference (transcript-rebuilt; emitter-appended) ---
"""Pipeline reference for scband-model-23880018165863 (READ-ONLY COPY).

The authoritative reference and input builder live on the scoring server;
editing this copy changes nothing except your own understanding.
"""

import jax, jax.numpy as jnp
import numpy as np

NUM_NODES = 10000
NUM_EDGES = 160000
FEAT_DIM = 256


def setup_inputs(seed: int = 0) -> dict:
    key = jax.random.key(seed)
    k1, k2, k3 = jax.random.split(key, 3)
    row_ptr = jnp.sort(jax.random.randint(k1, (NUM_NODES + 1,), 0, NUM_EDGES, dtype=jnp.int32))
    col_idx = jax.random.randint(k2, (NUM_EDGES,), 0, NUM_NODES, dtype=jnp.int32)
    node_feat = jax.random.normal(k3, (NUM_NODES, FEAT_DIM), dtype=jnp.float32)
    return {"row_ptr": row_ptr, "col_idx": col_idx, "node_feat": node_feat}


def reference(row_ptr, col_idx, node_feat):
    num_nodes = row_ptr.shape[0] - 1
    num_edges = col_idx.shape[0]
    e = jnp.arange(num_edges)
    # For edge e, destination d satisfies row_ptr[d] <= e < row_ptr[d+1]
    seg = jnp.searchsorted(row_ptr, e, side='right') - 1
    valid = (seg >= 0) & (seg < num_nodes)
    seg_c = jnp.where(valid, seg, num_nodes)  # dump out-of-range edges into a spare segment
    feats = jnp.take(node_feat, col_idx, axis=0)  # [E, d] gather
    out = jax.ops.segment_max(feats, seg_c, num_segments=num_nodes + 1)
    # Empty segments are -inf, matching the torch reference's full(-inf) init
    return out[:num_nodes]

if __name__ == "__main__":
    import jax
    _d = setup_inputs()
    print(jax.jit(kernel)(*tuple(_d.values())))

</pallas_src>

<mosaic_0001>
#map = affine_map<(d0, d1) -> (0)>
#map1 = affine_map<(d0, d1) -> (0, 0)>
module attributes {stable_mosaic.version = 14 : i64} {
  func.func @_body(%arg0: i32, %arg1: i32, %arg2: memref<10001xi32, #tpu.memory_space<hbm>>, %arg3: memref<16xi32, #tpu.memory_space<hbm>>, %arg4: memref<160000xi32, #tpu.memory_space<hbm>>, %arg5: memref<10000x128xi32, #tpu.memory_space<hbm>>, %arg6: memref<10240x128xi32, #tpu.memory_space<hbm>>, %arg7: memref<384xi32, #tpu.memory_space<vmem>>, %arg8: memref<16xi32, #tpu.memory_space<vmem>>, %arg9: memref<128xi32, #tpu.memory_space<vmem>>, %arg10: memref<128xi32, #tpu.memory_space<vmem>>, %arg11: memref<128x128xi32, #tpu.memory_space<vmem>>, %arg12: memref<128x128xi32, #tpu.memory_space<vmem>>, %arg13: memref<320x128xi32, #tpu.memory_space<vmem>>, %arg14: memref<!tpu.dma_semaphore, #tpu.memory_space<semaphore_mem>>, %arg15: memref<!tpu.dma_semaphore, #tpu.memory_space<semaphore_mem>>, %arg16: memref<!tpu.dma_semaphore, #tpu.memory_space<semaphore_mem>>, %arg17: memref<!tpu.dma_semaphore, #tpu.memory_space<semaphore_mem>>, %arg18: memref<!tpu.dma_semaphore, #tpu.memory_space<semaphore_mem>>, %arg19: memref<!tpu.dma_semaphore, #tpu.memory_space<semaphore_mem>>) attributes {dimension_semantics = [#tpu.dimension_semantics<core_parallel>, #tpu.dimension_semantics<subcore_parallel>], iteration_bounds = array<i64: 2, 16>, scalar_prefetch = 0 : i64, scratch_operands = 13 : i64, tpu.core_type = #tpu.core_type<sc_vector_subcore>, window_params = [{transform_indices = #map}, {transform_indices = #map}, {transform_indices = #map}, {transform_indices = #map1}, {transform_indices = #map1}]} {
    %mul3A = arith.constant 2 : i32
    %mul3A_0 = arith.muli %arg1, %mul3A : i32
    %add3A = arith.addi %mul3A_0, %arg0 : i32
    %mul3A_1 = arith.constant 320 : i32
    %mul3A_2 = arith.muli %add3A, %mul3A_1 : i32
    %multiple_of3A = tpu.assume_multiple %mul3A_2, 8 : i32
    %min3A = arith.constant 9640 : i32
    %min3A_3 = arith.minsi %multiple_of3A, %min3A : i32
    %multiple_of3A_4 = tpu.assume_multiple %min3A_3, 8 : i32
    %sub3A = arith.subi %multiple_of3A, %multiple_of3A_4 : i32
    %sub3A_5 = arith.constant 10000 : i32
    %sub3A_6 = arith.subi %sub3A_5, %multiple_of3A : i32
    %min3A_7 = arith.constant 320 : i32
    %min3A_8 = arith.minsi %min3A_7, %sub3A_6 : i32
    "tpu.region"() ({
      %run_scoped3A = tpu.sem_alloc : memref<!tpu.dma_semaphore, #tpu.memory_space<semaphore_mem>>
      %dma_start3A = arith.constant 0 : i32
      %dma_start3A_109 = tpu.memref_slice %arg7[%dma_start3A] : memref<384xi32, #tpu.memory_space<vmem>> -> memref<360xi32, #tpu.memory_space<vmem>>
      %dma_start3A_110 = tpu.memref_slice %arg2[%multiple_of3A_4] : memref<10001xi32, #tpu.memory_space<hbm>> -> memref<360xi32, #tpu.memory_space<hbm>>
      %dma_start3A_111 = arith.constant 0 : i32
      %dma_start3A_112 = tpu.memref_slice %arg7[%dma_start3A_111] : memref<384xi32, #tpu.memory_space<vmem>> -> memref<360xi32, #tpu.memory_space<vmem>>
      %dma_start3A_113 = tpu.memref_slice %arg2[%multiple_of3A_4] : memref<10001xi32, #tpu.memory_space<hbm>> -> memref<360xi32, #tpu.memory_space<hbm>>
      tpu.enqueue_dma source(%dma_start3A_113 : memref<360xi32, #tpu.memory_space<hbm>>) target(%dma_start3A_112 : memref<360xi32, #tpu.memory_space<vmem>>) target_semaphore(%run_scoped3A : memref<!tpu.dma_semaphore, #tpu.memory_space<semaphore_mem>>)
      %dma_wait3A = arith.constant 0 : i32
      %dma_wait3A_114 = tpu.memref_slice %arg7[%dma_wait3A] : memref<384xi32, #tpu.memory_space<vmem>> -> memref<360xi32, #tpu.memory_space<vmem>>
      %dma_wait3A_115 = tpu.memref_slice %arg2[%multiple_of3A_4] : memref<10001xi32, #tpu.memory_space<hbm>> -> memref<360xi32, #tpu.memory_space<hbm>>
      %dma_wait3A_116 = arith.constant 0 : i32
      %dma_wait3A_117 = tpu.memref_slice %arg7[%dma_wait3A_116] : memref<384xi32, #tpu.memory_space<vmem>> -> memref<360xi32, #tpu.memory_space<vmem>>
      %dma_wait3A_118 = tpu.memref_slice %arg2[%multiple_of3A_4] : memref<10001xi32, #tpu.memory_space<hbm>> -> memref<360xi32, #tpu.memory_space<hbm>>
      tpu.wait_dma2 semaphore(%run_scoped3A : memref<!tpu.dma_semaphore, #tpu.memory_space<semaphore_mem>>) src(%dma_wait3A_118 : memref<360xi32, #tpu.memory_space<hbm>>) dst(%dma_wait3A_117 : memref<360xi32, #tpu.memory_space<vmem>>)
      tpu.yield
    }) : () -> ()
    "tpu.region"() ({
      %run_scoped3A = tpu.sem_alloc : memref<!tpu.dma_semaphore, #tpu.memory_space<semaphore_mem>>
      tpu.enqueue_dma source(%arg3 : memref<16xi32, #tpu.memory_space<hbm>>) target(%arg8 : memref<16xi32, #tpu.memory_space<vmem>>) target_semaphore(%run_scoped3A : memref<!tpu.dma_semaphore, #tpu.memory_space<semaphore_mem>>)
      tpu.wait_dma2 semaphore(%run_scoped3A : memref<!tpu.dma_semaphore, #tpu.memory_space<semaphore_mem>>) src(%arg3 : memref<16xi32, #tpu.memory_space<hbm>>) dst(%arg8 : memref<16xi32, #tpu.memory_space<vmem>>)
      tpu.yield
    }) : () -> ()
    %add3A_9 = arith.constant 0 : i32
    %add3A_10 = arith.addi %add3A_9, %sub3A : i32
    %get3A = arith.index_cast %add3A_10 : i32 to index
    %get3A_11 = tpu.vector_load %arg7[%get3A] {strides = array<i32>} : memref<384xi32, #tpu.memory_space<vmem>>, vector<16xi32>,
    %slice3A = vector.extract_strided_slice %get3A_11 {offsets = [0], sizes = [1], strides = [1]} : vector<16xi32> to vector<1xi32>
    %squeeze3A = vector.extract %slice3A[0] : i32 from vector<1xi32>
    %gt3A = arith.constant 0 : i32
    %gt3A_12 = arith.cmpi sgt, %sub3A, %gt3A : i32
    %get3A_13 = arith.constant 0 : index
    %get3A_14 = tpu.vector_load %arg8[%get3A_13] {strides = array<i32>} : memref<16xi32, #tpu.memory_space<vmem>>, vector<16xi32>,
    %slice3A_15 = vector.extract_strided_slice %get3A_14 {offsets = [0], sizes = [1], strides = [1]} : vector<16xi32> to vector<1xi32>
    %squeeze3A_16 = vector.extract %slice3A_15[0] : i32 from vector<1xi32>
    %get3A_17 = arith.constant 320 : index
    %get3A_18 = tpu.vector_load %arg7[%get3A_17] {strides = array<i32>} : memref<384xi32, #tpu.memory_space<vmem>>, vector<16xi32>,
    %slice3A_19 = vector.extract_strided_slice %get3A_18 {offsets = [0], sizes = [1], strides = [1]} : vector<16xi32> to vector<1xi32>
    %squeeze3A_20 = vector.extract %slice3A_19[0] : i32 from vector<1xi32>
    %select_n3A = arith.select %gt3A_12, %squeeze3A_16, %squeeze3A_20 : i32
    %broadcast_in_dim3A = vector.broadcast %select_n3A : i32 to vector<16xi32>
    %add3A_21 = arith.addi %min3A_8, %sub3A : i32
    %swap3A = arith.index_cast %add3A_21 : i32 to index
    %swap3A_22 = tpu.vector_load %arg7[%swap3A] {strides = array<i32>} : memref<384xi32, #tpu.memory_space<vmem>>, vector<16xi32>,
    tpu.vector_store %arg7[%swap3A], %broadcast_in_dim3A {strides = array<i32>} : memref<384xi32, #tpu.memory_space<vmem>>, vector<16xi32>,
    %and3A = arith.constant -8 : i32
    %and3A_23 = arith.andi %squeeze3A, %and3A : i32
    %sub3A_24 = arith.subi %select_n3A, %and3A_23 : i32
    %add3A_25 = arith.constant 127 : i32
    %add3A_26 = arith.addi %sub3A_24, %add3A_25 : i32
    %div3A = arith.constant 128 : i32
    %div3A_27 = arith.divsi %add3A_26, %div3A : i32
    %broadcast_in_dim3A_28 = arith.constant 0xFF80 : bf16
    %broadcast_in_dim3A_29 = vector.broadcast %broadcast_in_dim3A_28 : bf16 to vector<32xbf16>
    %add3A_30 = arith.constant 1 : i32
    %add3A_31 = arith.addi %add3A_30, %sub3A : i32
    %get3A_32 = arith.index_cast %add3A_31 : i32 to index
    %get3A_33 = tpu.vector_load %arg7[%get3A_32] {strides = array<i32>} : memref<384xi32, #tpu.memory_space<vmem>>, vector<16xi32>,
    %slice3A_34 = vector.extract_strided_slice %get3A_33 {offsets = [0], sizes = [1], strides = [1]} : vector<16xi32> to vector<1xi32>
    %squeeze3A_35 = vector.extract %slice3A_34[0] : i32 from vector<1xi32>
    %gt3A_36 = arith.constant 0 : i32
    %gt3A_37 = arith.cmpi sgt, %div3A_27, %gt3A_36 : i32
    %convert_element_type3A = arith.extui %gt3A_37 : i1 to i32
    %cond3A = arith.constant 0 : i32
    %cond3A_38 = arith.cmpi ne, %convert_element_type3A, %cond3A : i32
    scf.if %cond3A_38 {
      %add3A_109 = arith.constant 0 : i32
      %add3A_110 = arith.addi %and3A_23, %add3A_109 : i32
      %min3A_111 = arith.constant 159872 : i32
      %min3A_112 = arith.minsi %add3A_110, %min3A_111 : i32
      %multiple_of3A_113 = tpu.assume_multiple %min3A_112, 8 : i32
      %dma_start3A = tpu.memref_slice %arg4[%multiple_of3A_113] : memref<160000xi32, #tpu.memory_space<hbm>> -> memref<128xi32, #tpu.memory_space<hbm>>
      %dma_start3A_114 = tpu.memref_slice %arg4[%multiple_of3A_113] : memref<160000xi32, #tpu.memory_space<hbm>> -> memref<128xi32, #tpu.memory_space<hbm>>
      tpu.enqueue_dma source(%dma_start3A_114 : memref<128xi32, #tpu.memory_space<hbm>>) target(%arg9 : memref<128xi32, #tpu.memory_space<vmem>>) target_semaphore(%arg18 : memref<!tpu.dma_semaphore, #tpu.memory_space<semaphore_mem>>)
    } else {
    }
    %gt3A_39 = arith.constant 0 : i32
    %gt3A_40 = arith.cmpi sgt, %div3A_27, %gt3A_39 : i32
    %convert_element_type3A_41 = arith.extui %gt3A_40 : i1 to i32
    %cond3A_42 = arith.constant 0 : i32
    %cond3A_43 = arith.cmpi ne, %convert_element_type3A_41, %cond3A_42 : i32
    scf.if %cond3A_43 {
      %add3A_109 = arith.constant 0 : i32
      %add3A_110 = arith.addi %and3A_23, %add3A_109 : i32
      %min3A_111 = arith.constant 159872 : i32
      %min3A_112 = arith.minsi %add3A_110, %min3A_111 : i32
      %multiple_of3A_113 = tpu.assume_multiple %min3A_112, 8 : i32
      %dma_wait3A = tpu.memref_slice %arg4[%multiple_of3A_113] : memref<160000xi32, #tpu.memory_space<hbm>> -> memref<128xi32, #tpu.memory_space<hbm>>
      %dma_wait3A_114 = tpu.memref_slice %arg4[%multiple_of3A_113] : memref<160000xi32, #tpu.memory_space<hbm>> -> memref<128xi32, #tpu.memory_space<hbm>>
      tpu.wait_dma2 semaphore(%arg18 : memref<!tpu.dma_semaphore, #tpu.memory_space<semaphore_mem>>) src(%dma_wait3A_114 : memref<128xi32, #tpu.memory_space<hbm>>) dst(%arg9 : memref<128xi32, #tpu.memory_space<vmem>>)
      %dma_start3A = arith.constant 0 : i32
      %dma_start3A_115 = arith.constant 0 : i32
      %dma_start3A_116 = tpu.memref_slice %arg11[%dma_start3A, %dma_start3A_115] : memref<128x128xi32, #tpu.memory_space<vmem>> -> memref<64x128xi32, #tpu.memory_space<vmem>>
      %dma_start3A_117 = arith.constant 0 : i32
      %dma_start3A_118 = tpu.memref_slice %arg9[%dma_start3A_117] : memref<128xi32, #tpu.memory_space<vmem>> -> memref<64xi32, #tpu.memory_space<vmem>>
      %dma_start3A_119 = arith.constant 0 : i32
      %dma_start3A_120 = arith.constant 0 : i32
      %dma_start3A_121 = tpu.memref_slice %arg5[%dma_start3A_119, %dma_start3A_120] : memref<10000x128xi32, #tpu.memory_space<hbm>> -> memref<10000x128xi32, #tpu.memory_space<hbm>>
      tpu.enqueue_indirect_dma source(%dma_start3A_121 : memref<10000x128xi32, #tpu.memory_space<hbm>>) target(%dma_start3A_116 : memref<64x128xi32, #tpu.memory_space<vmem>>) offsets(%dma_start3A_118 : memref<64xi32, #tpu.memory_space<vmem>>) semaphore(%arg14 : memref<!tpu.dma_semaphore, #tpu.memory_space<semaphore_mem>>)
      %dma_start3A_122 = arith.constant 64 : i32
      %dma_start3A_123 = arith.constant 0 : i32
      %dma_start3A_124 = tpu.memref_slice %arg11[%dma_start3A_122, %dma_start3A_123] : memref<128x128xi32, #tpu.memory_space<vmem>> -> memref<64x128xi32, #tpu.memory_space<vmem>>
      %dma_start3A_125 = arith.constant 64 : i32
      %dma_start3A_126 = tpu.memref_slice %arg9[%dma_start3A_125] : memref<128xi32, #tpu.memory_space<vmem>> -> memref<64xi32, #tpu.memory_space<vmem>>
      %dma_start3A_127 = arith.constant 0 : i32
      %dma_start3A_128 = arith.constant 0 : i32
      %dma_start3A_129 = tpu.memref_slice %arg5[%dma_start3A_127, %dma_start3A_128] : memref<10000x128xi32, #tpu.memory_space<hbm>> -> memref<10000x128xi32, #tpu.memory_space<hbm>>
      tpu.enqueue_indirect_dma source(%dma_start3A_129 : memref<10000x128xi32, #tpu.memory_space<hbm>>) target(%dma_start3A_124 : memref<64x128xi32, #tpu.memory_space<vmem>>) offsets(%dma_start3A_126 : memref<64xi32, #tpu.memory_space<vmem>>) semaphore(%arg15 : memref<!tpu.dma_semaphore, #tpu.memory_space<semaphore_mem>>)
    } else {
    }
    %gt3A_44 = arith.constant 1 : i32
    %gt3A_45 = arith.cmpi sgt, %div3A_27, %gt3A_44 : i32
    %convert_element_type3A_46 = arith.extui %gt3A_45 : i1 to i32
    %cond3A_47 = arith.constant 0 : i32
    %cond3A_48 = arith.cmpi ne, %convert_element_type3A_46, %cond3A_47 : i32
    scf.if %cond3A_48 {
      %add3A_109 = arith.constant 128 : i32
      %add3A_110 = arith.addi %and3A_23, %add3A_109 : i32
      %min3A_111 = arith.constant 159872 : i32
      %min3A_112 = arith.minsi %add3A_110, %min3A_111 : i32
      %multiple_of3A_113 = tpu.assume_multiple %min3A_112, 8 : i32
      %dma_start3A = tpu.memref_slice %arg4[%multiple_of3A_113] : memref<160000xi32, #tpu.memory_space<hbm>> -> memref<128xi32, #tpu.memory_space<hbm>>
      %dma_start3A_114 = tpu.memref_slice %arg4[%multiple_of3A_113] : memref<160000xi32, #tpu.memory_space<hbm>> -> memref<128xi32, #tpu.memory_space<hbm>>
      tpu.enqueue_dma source(%dma_start3A_114 : memref<128xi32, #tpu.memory_space<hbm>>) target(%arg10 : memref<128xi32, #tpu.memory_space<vmem>>) target_semaphore(%arg19 : memref<!tpu.dma_semaphore, #tpu.memory_space<semaphore_mem>>)
    } else {
    }
    %add3A_49 = arith.constant 1 : i32
    %add3A_50 = arith.addi %div3A_27, %add3A_49 : i32
    %div3A_51 = arith.constant 2 : i32
    %div3A_52 = arith.divsi %add3A_50, %div3A_51 : i32
    %while3A = arith.constant 0 : i32
    %while3A_53 = arith.constant 0 : i32
    %while3A_54 = arith.subi %div3A_52, %while3A : i32
    %while3A_55 = arith.addi %while3A, %while3A_54 : i32
    %while3A_56 = arith.constant 1 : i32
    %while3A_57 = arith.divsi %while3A_54, %while3A_56 : i32
    %while3A_58 = arith.muli %while3A_57, %while3A_56 : i32
    %while3A_59 = arith.addi %while3A, %while3A_58 : i32
    %while3A_60 = arith.constant 1 : i32
    %while3A_61:10 = scf.for %while3A_109 = %while3A to %while3A_59 step %while3A_60 iter_args(%while3A_110 = %while3A_53, %while3A_111 = %squeeze3A_35, %while3A_112 = %broadcast_in_dim3A_29, %while3A_113 = %broadcast_in_dim3A_29, %while3A_114 = %broadcast_in_dim3A_29, %while3A_115 = %broadcast_in_dim3A_29, %while3A_116 = %broadcast_in_dim3A_29, %while3A_117 = %broadcast_in_dim3A_29, %while3A_118 = %broadcast_in_dim3A_29, %while3A_119 = %broadcast_in_dim3A_29) -> (i32, i32, vector<32xbf16>, vector<32xbf16>, vector<32xbf16>, vector<32xbf16>, vector<32xbf16>, vector<32xbf16>, vector<32xbf16>, vector<32xbf16>)  : i32 {
      %mul3A_120 = arith.constant 2 : i32
      %mul3A_121 = arith.muli %mul3A_120, %while3A_109 : i32
      %add3A_122 = arith.constant 1 : i32
      %add3A_123 = arith.addi %mul3A_121, %add3A_122 : i32
      %lt3A = arith.cmpi slt, %add3A_123, %div3A_27 : i32
      %convert_element_type3A_124 = arith.extui %lt3A : i1 to i32
      %cond3A_125 = arith.constant 0 : i32
      %cond3A_126 = arith.cmpi ne, %convert_element_type3A_124, %cond3A_125 : i32
      scf.if %cond3A_126 {
        %mul3A_184 = arith.constant 128 : i32
        %mul3A_185 = arith.muli %add3A_123, %mul3A_184 : i32
        %add3A_186 = arith.addi %and3A_23, %mul3A_185 : i32
        %min3A_187 = arith.constant 159872 : i32
        %min3A_188 = arith.minsi %add3A_186, %min3A_187 : i32
        %multiple_of3A_189 = tpu.assume_multiple %min3A_188, 8 : i32
        %dma_wait3A = tpu.memref_slice %arg4[%multiple_of3A_189] : memref<160000xi32, #tpu.memory_space<hbm>> -> memref<128xi32, #tpu.memory_space<hbm>>
        %dma_wait3A_190 = tpu.memref_slice %arg4[%multiple_of3A_189] : memref<160000xi32, #tpu.memory_space<hbm>> -> memref<128xi32, #tpu.memory_space<hbm>>
        tpu.wait_dma2 semaphore(%arg19 : memref<!tpu.dma_semaphore, #tpu.memory_space<semaphore_mem>>) src(%dma_wait3A_190 : memref<128xi32, #tpu.memory_space<hbm>>) dst(%arg10 : memref<128xi32, #tpu.memory_space<vmem>>)
        %dma_start3A = arith.constant 0 : i32
        %dma_start3A_191 = arith.constant 0 : i32
        %dma_start3A_192 = tpu.memref_slice %arg12[%dma_start3A, %dma_start3A_191] : memref<128x128xi32, #tpu.memory_space<vmem>> -> memref<64x128xi32, #tpu.memory_space<vmem>>
        %dma_start3A_193 = arith.constant 0 : i32
        %dma_start3A_194 = tpu.memref_slice %arg10[%dma_start3A_193] : memref<128xi32, #tpu.memory_space<vmem>> -> memref<64xi32, #tpu.memory_space<vmem>>
        %dma_start3A_195 = arith.constant 0 : i32
        %dma_start3A_196 = arith.constant 0 : i32
        %dma_start3A_197 = tpu.memref_slice %arg5[%dma_start3A_195, %dma_start3A_196] : memref<10000x128xi32, #tpu.memory_space<hbm>> -> memref<10000x128xi32, #tpu.memory_space<hbm>>
        tpu.enqueue_indirect_dma source(%dma_start3A_197 : memref<10000x128xi32, #tpu.memory_space<hbm>>) target(%dma_start3A_192 : memref<64x128xi32, #tpu.memory_space<vmem>>) offsets(%dma_start3A_194 : memref<64xi32, #tpu.memory_space<vmem>>) semaphore(%arg16 : memref<!tpu.dma_semaphore, #tpu.memory_space<semaphore_mem>>)
        %dma_start3A_198 = arith.constant 64 : i32
        %dma_start3A_199 = arith.constant 0 : i32
        %dma_start3A_200 = tpu.memref_slice %arg12[%dma_start3A_198, %dma_start3A_199] : memref<128x128xi32, #tpu.memory_space<vmem>> -> memref<64x128xi32, #tpu.memory_space<vmem>>
        %dma_start3A_201 = arith.constant 64 : i32
        %dma_start3A_202 = tpu.memref_slice %arg10[%dma_start3A_201] : memref<128xi32, #tpu.memory_space<vmem>> -> memref<64xi32, #tpu.memory_space<vmem>>
        %dma_start3A_203 = arith.constant 0 : i32
        %dma_start3A_204 = arith.constant 0 : i32
        %dma_start3A_205 = tpu.memref_slice %arg5[%dma_start3A_203, %dma_start3A_204] : memref<10000x128xi32, #tpu.memory_space<hbm>> -> memref<10000x128xi32, #tpu.memory_space<hbm>>
        tpu.enqueue_indirect_dma source(%dma_start3A_205 : memref<10000x128xi32, #tpu.memory_space<hbm>>) target(%dma_start3A_200 : memref<64x128xi32, #tpu.memory_space<vmem>>) offsets(%dma_start3A_202 : memref<64xi32, #tpu.memory_space<vmem>>) semaphore(%arg17 : memref<!tpu.dma_semaphore, #tpu.memory_space<semaphore_mem>>)
      } else {
      }
      %lt3A_127 = arith.cmpi slt, %mul3A_121, %div3A_27 : i32
      %convert_element_type3A_128 = arith.extui %lt3A_127 : i1 to i32
      %cond3A_129 = arith.constant 0 : i32
      %cond3A_130 = arith.cmpi ne, %convert_element_type3A_128, %cond3A_129 : i32
      scf.if %cond3A_130 {
        %dma_wait3A = arith.constant 0 : i32
        %dma_wait3A_184 = arith.constant 0 : i32
        %dma_wait3A_185 = tpu.memref_slice %arg11[%dma_wait3A, %dma_wait3A_184] : memref<128x128xi32, #tpu.memory_space<vmem>> -> memref<64x128xi32, #tpu.memory_space<vmem>>
        %dma_wait3A_186 = arith.constant 0 : i32
        %dma_wait3A_187 = tpu.memref_slice %arg9[%dma_wait3A_186] : memref<128xi32, #tpu.memory_space<vmem>> -> memref<64xi32, #tpu.memory_space<vmem>>
        %dma_wait3A_188 = arith.constant 0 : i32
        %dma_wait3A_189 = arith.constant 0 : i32
        %dma_wait3A_190 = tpu.memref_slice %arg5[%dma_wait3A_188, %dma_wait3A_189] : memref<10000x128xi32, #tpu.memory_space<hbm>> -> memref<10000x128xi32, #tpu.memory_space<hbm>>
        tpu.wait_indirect_dma semaphore(%arg14 : memref<!tpu.dma_semaphore, #tpu.memory_space<semaphore_mem>>) src(%dma_wait3A_190 : memref<10000x128xi32, #tpu.memory_space<hbm>>) dst(%dma_wait3A_185 : memref<64x128xi32, #tpu.memory_space<vmem>>)
        %dma_wait3A_191 = arith.constant 64 : i32
        %dma_wait3A_192 = arith.constant 0 : i32
        %dma_wait3A_193 = tpu.memref_slice %arg11[%dma_wait3A_191, %dma_wait3A_192] : memref<128x128xi32, #tpu.memory_space<vmem>> -> memref<64x128xi32, #tpu.memory_space<vmem>>
        %dma_wait3A_194 = arith.constant 64 : i32
        %dma_wait3A_195 = tpu.memref_slice %arg9[%dma_wait3A_194] : memref<128xi32, #tpu.memory_space<vmem>> -> memref<64xi32, #tpu.memory_space<vmem>>
        %dma_wait3A_196 = arith.constant 0 : i32
        %dma_wait3A_197 = arith.constant 0 : i32
        %dma_wait3A_198 = tpu.memref_slice %arg5[%dma_wait3A_196, %dma_wait3A_197] : memref<10000x128xi32, #tpu.memory_space<hbm>> -> memref<10000x128xi32, #tpu.memory_space<hbm>>
        tpu.wait_indirect_dma semaphore(%arg15 : memref<!tpu.dma_semaphore, #tpu.memory_space<semaphore_mem>>) src(%dma_wait3A_198 : memref<10000x128xi32, #tpu.memory_space<hbm>>) dst(%dma_wait3A_193 : memref<64x128xi32, #tpu.memory_space<vmem>>)
      } else {
      }
      %add3A_131 = arith.constant 2 : i32
      %add3A_132 = arith.addi %mul3A_121, %add3A_131 : i32
      %lt3A_133 = arith.cmpi slt, %add3A_132, %div3A_27 : i32
      %convert_element_type3A_134 = arith.extui %lt3A_133 : i1 to i32
      %cond3A_135 = arith.constant 0 : i32
      %cond3A_136 = arith.cmpi ne, %convert_element_type3A_134, %cond3A_135 : i32
      scf.if %cond3A_136 {
        %mul3A_184 = arith.constant 128 : i32
        %mul3A_185 = arith.muli %add3A_132, %mul3A_184 : i32
        %add3A_186 = arith.addi %and3A_23, %mul3A_185 : i32
        %min3A_187 = arith.constant 159872 : i32
        %min3A_188 = arith.minsi %add3A_186, %min3A_187 : i32
        %multiple_of3A_189 = tpu.assume_multiple %min3A_188, 8 : i32
        %dma_start3A = tpu.memref_slice %arg4[%multiple_of3A_189] : memref<160000xi32, #tpu.memory_space<hbm>> -> memref<128xi32, #tpu.memory_space<hbm>>
        %dma_start3A_190 = tpu.memref_slice %arg4[%multiple_of3A_189] : memref<160000xi32, #tpu.memory_space<hbm>> -> memref<128xi32, #tpu.memory_space<hbm>>
        tpu.enqueue_dma source(%dma_start3A_190 : memref<128xi32, #tpu.memory_space<hbm>>) target(%arg9 : memref<128xi32, #tpu.memory_space<vmem>>) target_semaphore(%arg18 : memref<!tpu.dma_semaphore, #tpu.memory_space<semaphore_mem>>)
      } else {
      }
      %mul3A_137 = arith.constant 128 : i32
      %mul3A_138 = arith.muli %mul3A_121, %mul3A_137 : i32
      %add3A_139 = arith.addi %and3A_23, %mul3A_138 : i32
      %sub3A_140 = arith.constant 159872 : i32
      %sub3A_141 = arith.subi %add3A_139, %sub3A_140 : i32
      %max3A = arith.constant 0 : i32
      %max3A_142 = arith.maxsi %max3A, %sub3A_141 : i32
      %sub3A_143 = arith.subi %squeeze3A, %add3A_139 : i32
      %max3A_144 = arith.constant 0 : i32
      %max3A_145 = arith.maxsi %max3A_144, %sub3A_143 : i32
      %sub3A_146 = arith.subi %select_n3A, %add3A_139 : i32
      %min3A_147 = arith.constant 128 : i32
      %min3A_148 = arith.minsi %min3A_147, %sub3A_146 : i32
      %while3A_149:11 = scf.while (%while3A_184 = %max3A_145, %while3A_185 = %while3A_110, %while3A_186 = %while3A_111, %while3A_187 = %while3A_112, %while3A_188 = %while3A_113, %while3A_189 = %while3A_114, %while3A_190 = %while3A_115, %while3A_191 = %while3A_116, %while3A_192 = %while3A_117, %while3A_193 = %while3A_118, %while3A_194 = %while3A_119) : (i32, i32, i32, vector<32xbf16>, vector<32xbf16>, vector<32xbf16>, vector<32xbf16>, vector<32xbf16>, vector<32xbf16>, vector<32xbf16>, vector<32xbf16>) -> (i32, i32, i32, vector<32xbf16>, vector<32xbf16>, vector<32xbf16>, vector<32xbf16>, vector<32xbf16>, vector<32xbf16>, vector<32xbf16>, vector<32xbf16>) {
        %lt3A_195 = arith.cmpi slt, %while3A_184, %min3A_148 : i32
        scf.condition(%lt3A_195) %while3A_184, %while3A_185, %while3A_186, %while3A_187, %while3A_188, %while3A_189, %while3A_190, %while3A_191, %while3A_192, %while3A_193, %while3A_194 : i32, i32, i32, vector<32xbf16>, vector<32xbf16>, vector<32xbf16>, vector<32xbf16>, vector<32xbf16>, vector<32xbf16>, vector<32xbf16>, vector<32xbf16>
      } do {
      ^bb0(%while3A_184: i32, %while3A_185: i32, %while3A_186: i32, %while3A_187: vector<32xbf16>, %while3A_188: vector<32xbf16>, %while3A_189: vector<32xbf16>, %while3A_190: vector<32xbf16>, %while3A_191: vector<32xbf16>, %while3A_192: vector<32xbf16>, %while3A_193: vector<32xbf16>, %while3A_194: vector<32xbf16>):
        %sub3A_195 = arith.subi %while3A_186, %add3A_139 : i32
        %min3A_196 = arith.minsi %min3A_148, %sub3A_195 : i32
        %max3A_197 = arith.maxsi %while3A_184, %min3A_196 : i32
        %while3A_198 = arith.subi %max3A_197, %while3A_184 : i32
        %while3A_199 = arith.addi %while3A_184, %while3A_198 : i32
        %while3A_200 = arith.constant 1 : i32
        %while3A_201 = arith.divsi %while3A_198, %while3A_200 : i32
        %while3A_202 = arith.muli %while3A_201, %while3A_200 : i32
        %while3A_203 = arith.addi %while3A_184, %while3A_202 : i32
        %while3A_204 = arith.constant 1 : i32
        %while3A_205:8 = scf.for %while3A_231 = %while3A_184 to %while3A_203 step %while3A_204 iter_args(%while3A_232 = %while3A_187, %while3A_233 = %while3A_188, %while3A_234 = %while3A_189, %while3A_235 = %while3A_190, %while3A_236 = %while3A_191, %while3A_237 = %while3A_192, %while3A_238 = %while3A_193, %while3A_239 = %while3A_194) -> (vector<32xbf16>, vector<32xbf16>, vector<32xbf16>, vector<32xbf16>, vector<32xbf16>, vector<32xbf16>, vector<32xbf16>, vector<32xbf16>)  : i32 {
          %add3A_240 = arith.addi %while3A_231, %max3A_142 : i32
          %get3A_241 = arith.index_cast %add3A_240 : i32 to index
          %get3A_242 = arith.constant 0 : index
          %get3A_243 = tpu.vector_load %arg11[%get3A_241, %get3A_242] {strides = array<i32>} : memref<128x128xi32, #tpu.memory_space<vmem>>, vector<16xi32>,
          %bitcast3A_244 = vector.bitcast %get3A_243 : vector<16xi32> to vector<32xbf16>
          %max3A_245 = arith.maximumf %while3A_232, %bitcast3A_244 : vector<32xbf16>
          %add3A_246 = arith.addi %while3A_231, %max3A_142 : i32
          %get3A_247 = arith.index_cast %add3A_246 : i32 to index
          %get3A_248 = arith.constant 16 : index
          %get3A_249 = tpu.vector_load %arg11[%get3A_247, %get3A_248] {strides = array<i32>} : memref<128x128xi32, #tpu.memory_space<vmem>>, vector<16xi32>,
          %bitcast3A_250 = vector.bitcast %get3A_249 : vector<16xi32> to vector<32xbf16>
          %max3A_251 = arith.maximumf %while3A_233, %bitcast3A_250 : vector<32xbf16>
          %add3A_252 = arith.addi %while3A_231, %max3A_142 : i32
          %get3A_253 = arith.index_cast %add3A_252 : i32 to index
          %get3A_254 = arith.constant 32 : index
          %get3A_255 = tpu.vector_load %arg11[%get3A_253, %get3A_254] {strides = array<i32>} : memref<128x128xi32, #tpu.memory_space<vmem>>, vector<16xi32>,
          %bitcast3A_256 = vector.bitcast %get3A_255 : vector<16xi32> to vector<32xbf16>
          %max3A_257 = arith.maximumf %while3A_234, %bitcast3A_256 : vector<32xbf16>
          %add3A_258 = arith.addi %while3A_231, %max3A_142 : i32
          %get3A_259 = arith.index_cast %add3A_258 : i32 to index
          %get3A_260 = arith.constant 48 : index
          %get3A_261 = tpu.vector_load %arg11[%get3A_259, %get3A_260] {strides = array<i32>} : memref<128x128xi32, #tpu.memory_space<vmem>>, vector<16xi32>,
          %bitcast3A_262 = vector.bitcast %get3A_261 : vector<16xi32> to vector<32xbf16>
          %max3A_263 = arith.maximumf %while3A_235, %bitcast3A_262 : vector<32xbf16>
          %add3A_264 = arith.addi %while3A_231, %max3A_142 : i32
          %get3A_265 = arith.index_cast %add3A_264 : i32 to index
          %get3A_266 = arith.constant 64 : index
          %get3A_267 = tpu.vector_load %arg11[%get3A_265, %get3A_266] {strides = array<i32>} : memref<128x128xi32, #tpu.memory_space<vmem>>, vector<16xi32>,
          %bitcast3A_268 = vector.bitcast %get3A_267 : vector<16xi32> to vector<32xbf16>
          %max3A_269 = arith.maximumf %while3A_236, %bitcast3A_268 : vector<32xbf16>
          %add3A_270 = arith.addi %while3A_231, %max3A_142 : i32
          %get3A_271 = arith.index_cast %add3A_270 : i32 to index
          %get3A_272 = arith.constant 80 : index
          %get3A_273 = tpu.vector_load %arg11[%get3A_271, %get3A_272] {strides = array<i32>} : memref<128x128xi32, #tpu.memory_space<vmem>>, vector<16xi32>,
          %bitcast3A_274 = vector.bitcast %get3A_273 : vector<16xi32> to vector<32xbf16>
          %max3A_275 = arith.maximumf %while3A_237, %bitcast3A_274 : vector<32xbf16>
          %add3A_276 = arith.addi %while3A_231, %max3A_142 : i32
          %get3A_277 = arith.index_cast %add3A_276 : i32 to index
          %get3A_278 = arith.constant 96 : index
          %get3A_279 = tpu.vector_load %arg11[%get3A_277, %get3A_278] {strides = array<i32>} : memref<128x128xi32, #tpu.memory_space<vmem>>, vector<16xi32>,
          %bitcast3A_280 = vector.bitcast %get3A_279 : vector<16xi32> to vector<32xbf16>
          %max3A_281 = arith.maximumf %while3A_238, %bitcast3A_280 : vector<32xbf16>
          %add3A_282 = arith.addi %while3A_231, %max3A_142 : i32
          %get3A_283 = arith.index_cast %add3A_282 : i32 to index
          %get3A_284 = arith.constant 112 : index
          %get3A_285 = tpu.vector_load %arg11[%get3A_283, %get3A_284] {strides = array<i32>} : memref<128x128xi32, #tpu.memory_space<vmem>>, vector<16xi32>,
          %bitcast3A_286 = vector.bitcast %get3A_285 : vector<16xi32> to vector<32xbf16>
          %max3A_287 = arith.maximumf %while3A_239, %bitcast3A_286 : vector<32xbf16>
          scf.yield %max3A_245, %max3A_251, %max3A_257, %max3A_263, %max3A_269, %max3A_275, %max3A_281, %max3A_287 : vector<32xbf16>, vector<32xbf16>, vector<32xbf16>, vector<32xbf16>, vector<32xbf16>, vector<32xbf16>, vector<32xbf16>, vector<32xbf16>
        }
        %while3A_206 = arith.constant 1 : i32
        %while3A_207:8 = scf.for %while3A_231 = %while3A_203 to %while3A_199 step %while3A_206 iter_args(%while3A_232 = %while3A_205#0, %while3A_233 = %while3A_205#1, %while3A_234 = %while3A_205#2, %while3A_235 = %while3A_205#3, %while3A_236 = %while3A_205#4, %while3A_237 = %while3A_205#5, %while3A_238 = %while3A_205#6, %while3A_239 = %while3A_205#7) -> (vector<32xbf16>, vector<32xbf16>, vector<32xbf16>, vector<32xbf16>, vector<32xbf16>, vector<32xbf16>, vector<32xbf16>, vector<32xbf16>)  : i32 {
          %add3A_240 = arith.addi %while3A_231, %max3A_142 : i32
          %get3A_241 = arith.index_cast %add3A_240 : i32 to index
          %get3A_242 = arith.constant 0 : index
          %get3A_243 = tpu.vector_load %arg11[%get3A_241, %get3A_242] {strides = array<i32>} : memref<128x128xi32, #tpu.memory_space<vmem>>, vector<16xi32>,
          %bitcast3A_244 = vector.bitcast %get3A_243 : vector<16xi32> to vector<32xbf16>
          %max3A_245 = arith.maximumf %while3A_232, %bitcast3A_244 : vector<32xbf16>
          %add3A_246 = arith.addi %while3A_231, %max3A_142 : i32
          %get3A_247 = arith.index_cast %add3A_246 : i32 to index
          %get3A_248 = arith.constant 16 : index
          %get3A_249 = tpu.vector_load %arg11[%get3A_247, %get3A_248] {strides = array<i32>} : memref<128x128xi32, #tpu.memory_space<vmem>>, vector<16xi32>,
          %bitcast3A_250 = vector.bitcast %get3A_249 : vector<16xi32> to vector<32xbf16>
          %max3A_251 = arith.maximumf %while3A_233, %bitcast3A_250 : vector<32xbf16>
          %add3A_252 = arith.addi %while3A_231, %max3A_142 : i32
          %get3A_253 = arith.index_cast %add3A_252 : i32 to index
          %get3A_254 = arith.constant 32 : index
          %get3A_255 = tpu.vector_load %arg11[%get3A_253, %get3A_254] {strides = array<i32>} : memref<128x128xi32, #tpu.memory_space<vmem>>, vector<16xi32>,
          %bitcast3A_256 = vector.bitcast %get3A_255 : vector<16xi32> to vector<32xbf16>
          %max3A_257 = arith.maximumf %while3A_234, %bitcast3A_256 : vector<32xbf16>
          %add3A_258 = arith.addi %while3A_231, %max3A_142 : i32
          %get3A_259 = arith.index_cast %add3A_258 : i32 to index
          %get3A_260 = arith.constant 48 : index
          %get3A_261 = tpu.vector_load %arg11[%get3A_259, %get3A_260] {strides = array<i32>} : memref<128x128xi32, #tpu.memory_space<vmem>>, vector<16xi32>,
          %bitcast3A_262 = vector.bitcast %get3A_261 : vector<16xi32> to vector<32xbf16>
          %max3A_263 = arith.maximumf %while3A_235, %bitcast3A_262 : vector<32xbf16>
          %add3A_264 = arith.addi %while3A_231, %max3A_142 : i32
          %get3A_265 = arith.index_cast %add3A_264 : i32 to index
          %get3A_266 = arith.constant 64 : index
          %get3A_267 = tpu.vector_load %arg11[%get3A_265, %get3A_266] {strides = array<i32>} : memref<128x128xi32, #tpu.memory_space<vmem>>, vector<16xi32>,
          %bitcast3A_268 = vector.bitcast %get3A_267 : vector<16xi32> to vector<32xbf16>
          %max3A_269 = arith.maximumf %while3A_236, %bitcast3A_268 : vector<32xbf16>
          %add3A_270 = arith.addi %while3A_231, %max3A_142 : i32
          %get3A_271 = arith.index_cast %add3A_270 : i32 to index
          %get3A_272 = arith.constant 80 : index
          %get3A_273 = tpu.vector_load %arg11[%get3A_271, %get3A_272] {strides = array<i32>} : memref<128x128xi32, #tpu.memory_space<vmem>>, vector<16xi32>,
          %bitcast3A_274 = vector.bitcast %get3A_273 : vector<16xi32> to vector<32xbf16>
          %max3A_275 = arith.maximumf %while3A_237, %bitcast3A_274 : vector<32xbf16>
          %add3A_276 = arith.addi %while3A_231, %max3A_142 : i32
          %get3A_277 = arith.index_cast %add3A_276 : i32 to index
          %get3A_278 = arith.constant 96 : index
          %get3A_279 = tpu.vector_load %arg11[%get3A_277, %get3A_278] {strides = array<i32>} : memref<128x128xi32, #tpu.memory_space<vmem>>, vector<16xi32>,
          %bitcast3A_280 = vector.bitcast %get3A_279 : vector<16xi32> to vector<32xbf16>
          %max3A_281 = arith.maximumf %while3A_238, %bitcast3A_280 : vector<32xbf16>
          %add3A_282 = arith.addi %while3A_231, %max3A_142 : i32
          %get3A_283 = arith.index_cast %add3A_282 : i32 to index
          %get3A_284 = arith.constant 112 : index
          %get3A_285 = tpu.vector_load %arg11[%get3A_283, %get3A_284] {strides = array<i32>} : memref<128x128xi32, #tpu.memory_space<vmem>>, vector<16xi32>,
          %bitcast3A_286 = vector.bitcast %get3A_285 : vector<16xi32> to vector<32xbf16>
          %max3A_287 = arith.maximumf %while3A_239, %bitcast3A_286 : vector<32xbf16>
          scf.yield %max3A_245, %max3A_251, %max3A_257, %max3A_263, %max3A_269, %max3A_275, %max3A_281, %max3A_287 : vector<32xbf16>, vector<32xbf16>, vector<32xbf16>, vector<32xbf16>, vector<32xbf16>, vector<32xbf16>, vector<32xbf16>, vector<32xbf16>
        }
        %lt3A_208 = arith.cmpi slt, %max3A_197, %min3A_148 : i32
        %convert_element_type3A_209 = arith.extui %lt3A_208 : i1 to i32
        %cond3A_210 = arith.constant 0 : i32
        %cond3A_211 = arith.cmpi ne, %convert_element_type3A_209, %cond3A_210 : i32
        scf.if %cond3A_211 {
          %bitcast3A_231 = vector.bitcast %while3A_207#0 : vector<32xbf16> to vector<16xi32>
          %swap3A_232 = arith.index_cast %while3A_185 : i32 to index
          %swap3A_233 = arith.constant 0 : index
          %swap3A_234 = tpu.vector_load %arg13[%swap3A_232, %swap3A_233] {strides = array<i32>} : memref<320x128xi32, #tpu.memory_space<vmem>>, vector<16xi32>,
          tpu.vector_store %arg13[%swap3A_232, %swap3A_233], %bitcast3A_231 {strides = array<i32>} : memref<320x128xi32, #tpu.memory_space<vmem>>, vector<16xi32>,
          %bitcast3A_235 = vector.bitcast %while3A_207#1 : vector<32xbf16> to vector<16xi32>
          %swap3A_236 = arith.index_cast %while3A_185 : i32 to index
          %swap3A_237 = arith.constant 16 : index
          %swap3A_238 = tpu.vector_load %arg13[%swap3A_236, %swap3A_237] {strides = array<i32>} : memref<320x128xi32, #tpu.memory_space<vmem>>, vector<16xi32>,
          tpu.vector_store %arg13[%swap3A_236, %swap3A_237], %bitcast3A_235 {strides = array<i32>} : memref<320x128xi32, #tpu.memory_space<vmem>>, vector<16xi32>,
          %bitcast3A_239 = vector.bitcast %while3A_207#2 : vector<32xbf16> to vector<16xi32>
          %swap3A_240 = arith.index_cast %while3A_185 : i32 to index
          %swap3A_241 = arith.constant 32 : index
          %swap3A_242 = tpu.vector_load %arg13[%swap3A_240, %swap3A_241] {strides = array<i32>} : memref<320x128xi32, #tpu.memory_space<vmem>>, vector<16xi32>,
          tpu.vector_store %arg13[%swap3A_240, %swap3A_241], %bitcast3A_239 {strides = array<i32>} : memref<320x128xi32, #tpu.memory_space<vmem>>, vector<16xi32>,
          %bitcast3A_243 = vector.bitcast %while3A_207#3 : vector<32xbf16> to vector<16xi32>
          %swap3A_244 = arith.index_cast %while3A_185 : i32 to index
          %swap3A_245 = arith.constant 48 : index
          %swap3A_246 = tpu.vector_load %arg13[%swap3A_244, %swap3A_245] {strides = array<i32>} : memref<320x128xi32, #tpu.memory_space<vmem>>, vector<16xi32>,
          tpu.vector_store %arg13[%swap3A_244, %swap3A_245], %bitcast3A_243 {strides = array<i32>} : memref<320x128xi32, #tpu.memory_space<vmem>>, vector<16xi32>,
          %bitcast3A_247 = vector.bitcast %while3A_207#4 : vector<32xbf16> to vector<16xi32>
          %swap3A_248 = arith.index_cast %while3A_185 : i32 to index
          %swap3A_249 = arith.constant 64 : index
          %swap3A_250 = tpu.vector_load %arg13[%swap3A_248, %swap3A_249] {strides = array<i32>} : memref<320x128xi32, #tpu.memory_space<vmem>>, vector<16xi32>,
          tpu.vector_store %arg13[%swap3A_248, %swap3A_249], %bitcast3A_247 {strides = array<i32>} : memref<320x128xi32, #tpu.memory_space<vmem>>, vector<16xi32>,
          %bitcast3A_251 = vector.bitcast %while3A_207#5 : vector<32xbf16> to vector<16xi32>
          %swap3A_252 = arith.index_cast %while3A_185 : i32 to index
          %swap3A_253 = arith.constant 80 : index
          %swap3A_254 = tpu.vector_load %arg13[%swap3A_252, %swap3A_253] {strides = array<i32>} : memref<320x128xi32, #tpu.memory_space<vmem>>, vector<16xi32>,
          tpu.vector_store %arg13[%swap3A_252, %swap3A_253], %bitcast3A_251 {strides = array<i32>} : memref<320x128xi32, #tpu.memory_space<vmem>>, vector<16xi32>,
          %bitcast3A_255 = vector.bitcast %while3A_207#6 : vector<32xbf16> to vector<16xi32>
          %swap3A_256 = arith.index_cast %while3A_185 : i32 to index
          %swap3A_257 = arith.constant 96 : index
          %swap3A_258 = tpu.vector_load %arg13[%swap3A_256, %swap3A_257] {strides = array<i32>} : memref<320x128xi32, #tpu.memory_space<vmem>>, vector<16xi32>,
          tpu.vector_store %arg13[%swap3A_256, %swap3A_257], %bitcast3A_255 {strides = array<i32>} : memref<320x128xi32, #tpu.memory_space<vmem>>, vector<16xi32>,
          %bitcast3A_259 = vector.bitcast %while3A_207#7 : vector<32xbf16> to vector<16xi32>
          %swap3A_260 = arith.index_cast %while3A_185 : i32 to index
          %swap3A_261 = arith.constant 112 : index
          %swap3A_262 = tpu.vector_load %arg13[%swap3A_260, %swap3A_261] {strides = array<i32>} : memref<320x128xi32, #tpu.memory_space<vmem>>, vector<16xi32>,
          tpu.vector_store %arg13[%swap3A_260, %swap3A_261], %bitcast3A_259 {strides = array<i32>} : memref<320x128xi32, #tpu.memory_space<vmem>>, vector<16xi32>,
        } else {
        }
        %add3A_212 = arith.constant 2 : i32
        %add3A_213 = arith.addi %while3A_185, %add3A_212 : i32
        %add3A_214 = arith.addi %add3A_213, %sub3A : i32
        %get3A_215 = arith.index_cast %add3A_214 : i32 to index
        %get3A_216 = tpu.vector_load %arg7[%get3A_215] {strides = array<i32>} : memref<384xi32, #tpu.memory_space<vmem>>, vector<16xi32>,
        %slice3A_217 = vector.extract_strided_slice %get3A_216 {offsets = [0], sizes = [1], strides = [1]} : vector<16xi32> to vector<1xi32>
        %squeeze3A_218 = vector.extract %slice3A_217[0] : i32 from vector<1xi32>
        %add3A_219 = arith.constant 1 : i32
        %add3A_220 = arith.addi %while3A_185, %add3A_219 : i32
        %select_n3A_221 = arith.select %lt3A_208, %add3A_220, %while3A_185 : i32
        %select_n3A_222 = arith.select %lt3A_208, %squeeze3A_218, %while3A_186 : i32
        %select_n3A_223 = arith.select %lt3A_208, %broadcast_in_dim3A_29, %while3A_207#0 : vector<32xbf16>
        %select_n3A_224 = arith.select %lt3A_208, %broadcast_in_dim3A_29, %while3A_207#1 : vector<32xbf16>
        %select_n3A_225 = arith.select %lt3A_208, %broadcast_in_dim3A_29, %while3A_207#2 : vector<32xbf16>
        %select_n3A_226 = arith.select %lt3A_208, %broadcast_in_dim3A_29, %while3A_207#3 : vector<32xbf16>
        %select_n3A_227 = arith.select %lt3A_208, %broadcast_in_dim3A_29, %while3A_207#4 : vector<32xbf16>
        %select_n3A_228 = arith.select %lt3A_208, %broadcast_in_dim3A_29, %while3A_207#5 : vector<32xbf16>
        %select_n3A_229 = arith.select %lt3A_208, %broadcast_in_dim3A_29, %while3A_207#6 : vector<32xbf16>
        %select_n3A_230 = arith.select %lt3A_208, %broadcast_in_dim3A_29, %while3A_207#7 : vector<32xbf16>
        scf.yield %max3A_197, %select_n3A_221, %select_n3A_222, %select_n3A_223, %select_n3A_224, %select_n3A_225, %select_n3A_226, %select_n3A_227, %select_n3A_228, %select_n3A_229, %select_n3A_230 : i32, i32, i32, vector<32xbf16>, vector<32xbf16>, vector<32xbf16>, vector<32xbf16>, vector<32xbf16>, vector<32xbf16>, vector<32xbf16>, vector<32xbf16>
      }
      %add3A_150 = arith.constant 2 : i32
      %add3A_151 = arith.addi %mul3A_121, %add3A_150 : i32
      %lt3A_152 = arith.cmpi slt, %add3A_151, %div3A_27 : i32
      %convert_element_type3A_153 = arith.extui %lt3A_152 : i1 to i32
      %cond3A_154 = arith.constant 0 : i32
      %cond3A_155 = arith.cmpi ne, %convert_element_type3A_153, %cond3A_154 : i32
      scf.if %cond3A_155 {
        %mul3A_184 = arith.constant 128 : i32
        %mul3A_185 = arith.muli %add3A_151, %mul3A_184 : i32
        %add3A_186 = arith.addi %and3A_23, %mul3A_185 : i32
        %min3A_187 = arith.constant 159872 : i32
        %min3A_188 = arith.minsi %add3A_186, %min3A_187 : i32
        %multiple_of3A_189 = tpu.assume_multiple %min3A_188, 8 : i32
        %dma_wait3A = tpu.memref_slice %arg4[%multiple_of3A_189] : memref<160000xi32, #tpu.memory_space<hbm>> -> memref<128xi32, #tpu.memory_space<hbm>>
        %dma_wait3A_190 = tpu.memref_slice %arg4[%multiple_of3A_189] : memref<160000xi32, #tpu.memory_space<hbm>> -> memref<128xi32, #tpu.memory_space<hbm>>
        tpu.wait_dma2 semaphore(%arg18 : memref<!tpu.dma_semaphore, #tpu.memory_space<semaphore_mem>>) src(%dma_wait3A_190 : memref<128xi32, #tpu.memory_space<hbm>>) dst(%arg9 : memref<128xi32, #tpu.memory_space<vmem>>)
        %dma_start3A = arith.constant 0 : i32
        %dma_start3A_191 = arith.constant 0 : i32
        %dma_start3A_192 = tpu.memref_slice %arg11[%dma_start3A, %dma_start3A_191] : memref<128x128xi32, #tpu.memory_space<vmem>> -> memref<64x128xi32, #tpu.memory_space<vmem>>
        %dma_start3A_193 = arith.constant 0 : i32
        %dma_start3A_194 = tpu.memref_slice %arg9[%dma_start3A_193] : memref<128xi32, #tpu.memory_space<vmem>> -> memref<64xi32, #tpu.memory_space<vmem>>
        %dma_start3A_195 = arith.constant 0 : i32
        %dma_start3A_196 = arith.constant 0 : i32
        %dma_start3A_197 = tpu.memref_slice %arg5[%dma_start3A_195, %dma_start3A_196] : memref<10000x128xi32, #tpu.memory_space<hbm>> -> memref<10000x128xi32, #tpu.memory_space<hbm>>
        tpu.enqueue_indirect_dma source(%dma_start3A_197 : memref<10000x128xi32, #tpu.memory_space<hbm>>) target(%dma_start3A_192 : memref<64x128xi32, #tpu.memory_space<vmem>>) offsets(%dma_start3A_194 : memref<64xi32, #tpu.memory_space<vmem>>) semaphore(%arg14 : memref<!tpu.dma_semaphore, #tpu.memory_space<semaphore_mem>>)
        %dma_start3A_198 = arith.constant 64 : i32
        %dma_start3A_199 = arith.constant 0 : i32
        %dma_start3A_200 = tpu.memref_slice %arg11[%dma_start3A_198, %dma_start3A_199] : memref<128x128xi32, #tpu.memory_space<vmem>> -> memref<64x128xi32, #tpu.memory_space<vmem>>
        %dma_start3A_201 = arith.constant 64 : i32
        %dma_start3A_202 = tpu.memref_slice %arg9[%dma_start3A_201] : memref<128xi32, #tpu.memory_space<vmem>> -> memref<64xi32, #tpu.memory_space<vmem>>
        %dma_start3A_203 = arith.constant 0 : i32
        %dma_start3A_204 = arith.constant 0 : i32
        %dma_start3A_205 = tpu.memref_slice %arg5[%dma_start3A_203, %dma_start3A_204] : memref<10000x128xi32, #tpu.memory_space<hbm>> -> memref<10000x128xi32, #tpu.memory_space<hbm>>
        tpu.enqueue_indirect_dma source(%dma_start3A_205 : memref<10000x128xi32, #tpu.memory_space<hbm>>) target(%dma_start3A_200 : memref<64x128xi32, #tpu.memory_space<vmem>>) offsets(%dma_start3A_202 : memref<64xi32, #tpu.memory_space<vmem>>) semaphore(%arg15 : memref<!tpu.dma_semaphore, #tpu.memory_space<semaphore_mem>>)
      } else {
      }
      %add3A_156 = arith.constant 1 : i32
      %add3A_157 = arith.addi %mul3A_121, %add3A_156 : i32
      %lt3A_158 = arith.cmpi slt, %add3A_157, %div3A_27 : i32
      %convert_element_type3A_159 = arith.extui %lt3A_158 : i1 to i32
      %cond3A_160 = arith.constant 0 : i32
      %cond3A_161 = arith.cmpi ne, %convert_element_type3A_159, %cond3A_160 : i32
      scf.if %cond3A_161 {
        %dma_wait3A = arith.constant 0 : i32
        %dma_wait3A_184 = arith.constant 0 : i32
        %dma_wait3A_185 = tpu.memref_slice %arg12[%dma_wait3A, %dma_wait3A_184] : memref<128x128xi32, #tpu.memory_space<vmem>> -> memref<64x128xi32, #tpu.memory_space<vmem>>
        %dma_wait3A_186 = arith.constant 0 : i32
        %dma_wait3A_187 = tpu.memref_slice %arg10[%dma_wait3A_186] : memref<128xi32, #tpu.memory_space<vmem>> -> memref<64xi32, #tpu.memory_space<vmem>>
        %dma_wait3A_188 = arith.constant 0 : i32
        %dma_wait3A_189 = arith.constant 0 : i32
        %dma_wait3A_190 = tpu.memref_slice %arg5[%dma_wait3A_188, %dma_wait3A_189] : memref<10000x128xi32, #tpu.memory_space<hbm>> -> memref<10000x128xi32, #tpu.memory_space<hbm>>
        tpu.wait_indirect_dma semaphore(%arg16 : memref<!tpu.dma_semaphore, #tpu.memory_space<semaphore_mem>>) src(%dma_wait3A_190 : memref<10000x128xi32, #tpu.memory_space<hbm>>) dst(%dma_wait3A_185 : memref<64x128xi32, #tpu.memory_space<vmem>>)
        %dma_wait3A_191 = arith.constant 64 : i32
        %dma_wait3A_192 = arith.constant 0 : i32
        %dma_wait3A_193 = tpu.memref_slice %arg12[%dma_wait3A_191, %dma_wait3A_192] : memref<128x128xi32, #tpu.memory_space<vmem>> -> memref<64x128xi32, #tpu.memory_space<vmem>>
        %dma_wait3A_194 = arith.constant 64 : i32
        %dma_wait3A_195 = tpu.memref_slice %arg10[%dma_wait3A_194] : memref<128xi32, #tpu.memory_space<vmem>> -> memref<64xi32, #tpu.memory_space<vmem>>
        %dma_wait3A_196 = arith.constant 0 : i32
        %dma_wait3A_197 = arith.constant 0 : i32
        %dma_wait3A_198 = tpu.memref_slice %arg5[%dma_wait3A_196, %dma_wait3A_197] : memref<10000x128xi32, #tpu.memory_space<hbm>> -> memref<10000x128xi32, #tpu.memory_space<hbm>>
        tpu.wait_indirect_dma semaphore(%arg17 : memref<!tpu.dma_semaphore, #tpu.memory_space<semaphore_mem>>) src(%dma_wait3A_198 : memref<10000x128xi32, #tpu.memory_space<hbm>>) dst(%dma_wait3A_193 : memref<64x128xi32, #tpu.memory_space<vmem>>)
      } else {
      }
      %add3A_162 = arith.constant 3 : i32
      %add3A_163 = arith.addi %mul3A_121, %add3A_162 : i32
      %lt3A_164 = arith.cmpi slt, %add3A_163, %div3A_27 : i32
      %convert_element_type3A_165 = arith.extui %lt3A_164 : i1 to i32
      %cond3A_166 = arith.constant 0 : i32
      %cond3A_167 = arith.cmpi ne, %convert_element_type3A_165, %cond3A_166 : i32
      scf.if %cond3A_167 {
        %mul3A_184 = arith.constant 128 : i32
        %mul3A_185 = arith.muli %add3A_163, %mul3A_184 : i32
        %add3A_186 = arith.addi %and3A_23, %mul3A_185 : i32
        %min3A_187 = arith.constant 159872 : i32
        %min3A_188 = arith.minsi %add3A_186, %min3A_187 : i32
        %multiple_of3A_189 = tpu.assume_multiple %min3A_188, 8 : i32
        %dma_start3A = tpu.memref_slice %arg4[%multiple_of3A_189] : memref<160000xi32, #tpu.memory_space<hbm>> -> memref<128xi32, #tpu.memory_space<hbm>>
        %dma_start3A_190 = tpu.memref_slice %arg4[%multiple_of3A_189] : memref<160000xi32, #tpu.memory_space<hbm>> -> memref<128xi32, #tpu.memory_space<hbm>>
        tpu.enqueue_dma source(%dma_start3A_190 : memref<128xi32, #tpu.memory_space<hbm>>) target(%arg10 : memref<128xi32, #tpu.memory_space<vmem>>) target_semaphore(%arg19 : memref<!tpu.dma_semaphore, #tpu.memory_space<semaphore_mem>>)
      } else {
      }
      %add3A_168 = arith.constant 1 : i32
      %add3A_169 = arith.addi %mul3A_121, %add3A_168 : i32
      %mul3A_170 = arith.constant 128 : i32
      %mul3A_171 = arith.muli %add3A_169, %mul3A_170 : i32
      %add3A_172 = arith.addi %and3A_23, %mul3A_171 : i32
      %sub3A_173 = arith.constant 159872 : i32
      %sub3A_174 = arith.subi %add3A_172, %sub3A_173 : i32
      %max3A_175 = arith.constant 0 : i32
      %max3A_176 = arith.maxsi %max3A_175, %sub3A_174 : i32
      %sub3A_177 = arith.subi %squeeze3A, %add3A_172 : i32
      %max3A_178 = arith.constant 0 : i32
      %max3A_179 = arith.maxsi %max3A_178, %sub3A_177 : i32
      %sub3A_180 = arith.subi %select_n3A, %add3A_172 : i32
      %min3A_181 = arith.constant 128 : i32
      %min3A_182 = arith.minsi %min3A_181, %sub3A_180 : i32
      %while3A_183:11 = scf.while (%while3A_184 = %max3A_179, %while3A_185 = %while3A_149#1, %while3A_186 = %while3A_149#2, %while3A_187 = %while3A_149#3, %while3A_188 = %while3A_149#4, %while3A_189 = %while3A_149#5, %while3A_190 = %while3A_149#6, %while3A_191 = %while3A_149#7, %while3A_192 = %while3A_149#8, %while3A_193 = %while3A_149#9, %while3A_194 = %while3A_149#10) : (i32, i32, i32, vector<32xbf16>, vector<32xbf16>, vector<32xbf16>, vector<32xbf16>, vector<32xbf16>, vector<32xbf16>, vector<32xbf16>, vector<32xbf16>) -> (i32, i32, i32, vector<32xbf16>, vector<32xbf16>, vector<32xbf16>, vector<32xbf16>, vector<32xbf16>, vector<32xbf16>, vector<32xbf16>, vector<32xbf16>) {
        %lt3A_195 = arith.cmpi slt, %while3A_184, %min3A_182 : i32
        scf.condition(%lt3A_195) %while3A_184, %while3A_185, %while3A_186, %while3A_187, %while3A_188, %while3A_189, %while3A_190, %while3A_191, %while3A_192, %while3A_193, %while3A_194 : i32, i32, i32, vector<32xbf16>, vector<32xbf16>, vector<32xbf16>, vector<32xbf16>, vector<32xbf16>, vector<32xbf16>, vector<32xbf16>, vector<32xbf16>
      } do {
      ^bb0(%while3A_184: i32, %while3A_185: i32, %while3A_186: i32, %while3A_187: vector<32xbf16>, %while3A_188: vector<32xbf16>, %while3A_189: vector<32xbf16>, %while3A_190: vector<32xbf16>, %while3A_191: vector<32xbf16>, %while3A_192: vector<32xbf16>, %while3A_193: vector<32xbf16>, %while3A_194: vector<32xbf16>):
        %sub3A_195 = arith.subi %while3A_186, %add3A_172 : i32
        %min3A_196 = arith.minsi %min3A_182, %sub3A_195 : i32
        %max3A_197 = arith.maxsi %while3A_184, %min3A_196 : i32
        %while3A_198 = arith.subi %max3A_197, %while3A_184 : i32
        %while3A_199 = arith.addi %while3A_184, %while3A_198 : i32
        %while3A_200 = arith.constant 1 : i32
        %while3A_201 = arith.divsi %while3A_198, %while3A_200 : i32
        %while3A_202 = arith.muli %while3A_201, %while3A_200 : i32
        %while3A_203 = arith.addi %while3A_184, %while3A_202 : i32
        %while3A_204 = arith.constant 1 : i32
        %while3A_205:8 = scf.for %while3A_231 = %while3A_184 to %while3A_203 step %while3A_204 iter_args(%while3A_232 = %while3A_187, %while3A_233 = %while3A_188, %while3A_234 = %while3A_189, %while3A_235 = %while3A_190, %while3A_236 = %while3A_191, %while3A_237 = %while3A_192, %while3A_238 = %while3A_193, %while3A_239 = %while3A_194) -> (vector<32xbf16>, vector<32xbf16>, vector<32xbf16>, vector<32xbf16>, vector<32xbf16>, vector<32xbf16>, vector<32xbf16>, vector<32xbf16>)  : i32 {
          %add3A_240 = arith.addi %while3A_231, %max3A_176 : i32
          %get3A_241 = arith.index_cast %add3A_240 : i32 to index
          %get3A_242 = arith.constant 0 : index
          %get3A_243 = tpu.vector_load %arg12[%get3A_241, %get3A_242] {strides = array<i32>} : memref<128x128xi32, #tpu.memory_space<vmem>>, vector<16xi32>,
          %bitcast3A_244 = vector.bitcast %get3A_243 : vector<16xi32> to vector<32xbf16>
          %max3A_245 = arith.maximumf %while3A_232, %bitcast3A_244 : vector<32xbf16>
          %add3A_246 = arith.addi %while3A_231, %max3A_176 : i32
          %get3A_247 = arith.index_cast %add3A_246 : i32 to index
          %get3A_248 = arith.constant 16 : index
          %get3A_249 = tpu.vector_load %arg12[%get3A_247, %get3A_248] {strides = array<i32>} : memref<128x128xi32, #tpu.memory_space<vmem>>, vector<16xi32>,
          %bitcast3A_250 = vector.bitcast %get3A_249 : vector<16xi32> to vector<32xbf16>
          %max3A_251 = arith.maximumf %while3A_233, %bitcast3A_250 : vector<32xbf16>
          %add3A_252 = arith.addi %while3A_231, %max3A_176 : i32
          %get3A_253 = arith.index_cast %add3A_252 : i32 to index
          %get3A_254 = arith.constant 32 : index
          %get3A_255 = tpu.vector_load %arg12[%get3A_253, %get3A_254] {strides = array<i32>} : memref<128x128xi32, #tpu.memory_space<vmem>>, vector<16xi32>,
          %bitcast3A_256 = vector.bitcast %get3A_255 : vector<16xi32> to vector<32xbf16>
          %max3A_257 = arith.maximumf %while3A_234, %bitcast3A_256 : vector<32xbf16>
          %add3A_258 = arith.addi %while3A_231, %max3A_176 : i32
          %get3A_259 = arith.index_cast %add3A_258 : i32 to index
          %get3A_260 = arith.constant 48 : index
          %get3A_261 = tpu.vector_load %arg12[%get3A_259, %get3A_260] {strides = array<i32>} : memref<128x128xi32, #tpu.memory_space<vmem>>, vector<16xi32>,
          %bitcast3A_262 = vector.bitcast %get3A_261 : vector<16xi32> to vector<32xbf16>
          %max3A_263 = arith.maximumf %while3A_235, %bitcast3A_262 : vector<32xbf16>
          %add3A_264 = arith.addi %while3A_231, %max3A_176 : i32
          %get3A_265 = arith.index_cast %add3A_264 : i32 to index
          %get3A_266 = arith.constant 64 : index
          %get3A_267 = tpu.vector_load %arg12[%get3A_265, %get3A_266] {strides = array<i32>} : memref<128x128xi32, #tpu.memory_space<vmem>>, vector<16xi32>,
          %bitcast3A_268 = vector.bitcast %get3A_267 : vector<16xi32> to vector<32xbf16>
          %max3A_269 = arith.maximumf %while3A_236, %bitcast3A_268 : vector<32xbf16>
          %add3A_270 = arith.addi %while3A_231, %max3A_176 : i32
          %get3A_271 = arith.index_cast %add3A_270 : i32 to index
          %get3A_272 = arith.constant 80 : index
          %get3A_273 = tpu.vector_load %arg12[%get3A_271, %get3A_272] {strides = array<i32>} : memref<128x128xi32, #tpu.memory_space<vmem>>, vector<16xi32>,
          %bitcast3A_274 = vector.bitcast %get3A_273 : vector<16xi32> to vector<32xbf16>
          %max3A_275 = arith.maximumf %while3A_237, %bitcast3A_274 : vector<32xbf16>
          %add3A_276 = arith.addi %while3A_231, %max3A_176 : i32
          %get3A_277 = arith.index_cast %add3A_276 : i32 to index
          %get3A_278 = arith.constant 96 : index
          %get3A_279 = tpu.vector_load %arg12[%get3A_277, %get3A_278] {strides = array<i32>} : memref<128x128xi32, #tpu.memory_space<vmem>>, vector<16xi32>,
          %bitcast3A_280 = vector.bitcast %get3A_279 : vector<16xi32> to vector<32xbf16>
          %max3A_281 = arith.maximumf %while3A_238, %bitcast3A_280 : vector<32xbf16>
          %add3A_282 = arith.addi %while3A_231, %max3A_176 : i32
          %get3A_283 = arith.index_cast %add3A_282 : i32 to index
          %get3A_284 = arith.constant 112 : index
          %get3A_285 = tpu.vector_load %arg12[%get3A_283, %get3A_284] {strides = array<i32>} : memref<128x128xi32, #tpu.memory_space<vmem>>, vector<16xi32>,
          %bitcast3A_286 = vector.bitcast %get3A_285 : vector<16xi32> to vector<32xbf16>
          %max3A_287 = arith.maximumf %while3A_239, %bitcast3A_286 : vector<32xbf16>
          scf.yield %max3A_245, %max3A_251, %max3A_257, %max3A_263, %max3A_269, %max3A_275, %max3A_281, %max3A_287 : vector<32xbf16>, vector<32xbf16>, vector<32xbf16>, vector<32xbf16>, vector<32xbf16>, vector<32xbf16>, vector<32xbf16>, vector<32xbf16>
        }
        %while3A_206 = arith.constant 1 : i32
        %while3A_207:8 = scf.for %while3A_231 = %while3A_203 to %while3A_199 step %while3A_206 iter_args(%while3A_232 = %while3A_205#0, %while3A_233 = %while3A_205#1, %while3A_234 = %while3A_205#2, %while3A_235 = %while3A_205#3, %while3A_236 = %while3A_205#4, %while3A_237 = %while3A_205#5, %while3A_238 = %while3A_205#6, %while3A_239 = %while3A_205#7) -> (vector<32xbf16>, vector<32xbf16>, vector<32xbf16>, vector<32xbf16>, vector<32xbf16>, vector<32xbf16>, vector<32xbf16>, vector<32xbf16>)  : i32 {
          %add3A_240 = arith.addi %while3A_231, %max3A_176 : i32
          %get3A_241 = arith.index_cast %add3A_240 : i32 to index
          %get3A_242 = arith.constant 0 : index
          %get3A_243 = tpu.vector_load %arg12[%get3A_241, %get3A_242] {strides = array<i32>} : memref<128x128xi32, #tpu.memory_space<vmem>>, vector<16xi32>,
          %bitcast3A_244 = vector.bitcast %get3A_243 : vector<16xi32> to vector<32xbf16>
          %max3A_245 = arith.maximumf %while3A_232, %bitcast3A_244 : vector<32xbf16>
          %add3A_246 = arith.addi %while3A_231, %max3A_176 : i32
          %get3A_247 = arith.index_cast %add3A_246 : i32 to index
          %get3A_248 = arith.constant 16 : index
          %get3A_249 = tpu.vector_load %arg12[%get3A_247, %get3A_248] {strides = array<i32>} : memref<128x128xi32, #tpu.memory_space<vmem>>, vector<16xi32>,
          %bitcast3A_250 = vector.bitcast %get3A_249 : vector<16xi32> to vector<32xbf16>
          %max3A_251 = arith.maximumf %while3A_233, %bitcast3A_250 : vector<32xbf16>
          %add3A_252 = arith.addi %while3A_231, %max3A_176 : i32
          %get3A_253 = arith.index_cast %add3A_252 : i32 to index
          %get3A_254 = arith.constant 32 : index
          %get3A_255 = tpu.vector_load %arg12[%get3A_253, %get3A_254] {strides = array<i32>} : memref<128x128xi32, #tpu.memory_space<vmem>>, vector<16xi32>,
          %bitcast3A_256 = vector.bitcast %get3A_255 : vector<16xi32> to vector<32xbf16>
          %max3A_257 = arith.maximumf %while3A_234, %bitcast3A_256 : vector<32xbf16>
          %add3A_258 = arith.addi %while3A_231, %max3A_176 : i32
          %get3A_259 = arith.index_cast %add3A_258 : i32 to index
          %get3A_260 = arith.constant 48 : index
          %get3A_261 = tpu.vector_load %arg12[%get3A_259, %get3A_260] {strides = array<i32>} : memref<128x128xi32, #tpu.memory_space<vmem>>, vector<16xi32>,
          %bitcast3A_262 = vector.bitcast %get3A_261 : vector<16xi32> to vector<32xbf16>
          %max3A_263 = arith.maximumf %while3A_235, %bitcast3A_262 : vector<32xbf16>
          %add3A_264 = arith.addi %while3A_231, %max3A_176 : i32
          %get3A_265 = arith.index_cast %add3A_264 : i32 to index
          %get3A_266 = arith.constant 64 : index
          %get3A_267 = tpu.vector_load %arg12[%get3A_265, %get3A_266] {strides = array<i32>} : memref<128x128xi32, #tpu.memory_space<vmem>>, vector<16xi32>,
          %bitcast3A_268 = vector.bitcast %get3A_267 : vector<16xi32> to vector<32xbf16>
          %max3A_269 = arith.maximumf %while3A_236, %bitcast3A_268 : vector<32xbf16>
          %add3A_270 = arith.addi %while3A_231, %max3A_176 : i32
          %get3A_271 = arith.index_cast %add3A_270 : i32 to index
          %get3A_272 = arith.constant 80 : index
          %get3A_273 = tpu.vector_load %arg12[%get3A_271, %get3A_272] {strides = array<i32>} : memref<128x128xi32, #tpu.memory_space<vmem>>, vector<16xi32>,
          %bitcast3A_274 = vector.bitcast %get3A_273 : vector<16xi32> to vector<32xbf16>
          %max3A_275 = arith.maximumf %while3A_237, %bitcast3A_274 : vector<32xbf16>
          %add3A_276 = arith.addi %while3A_231, %max3A_176 : i32
          %get3A_277 = arith.index_cast %add3A_276 : i32 to index
          %get3A_278 = arith.constant 96 : index
          %get3A_279 = tpu.vector_load %arg12[%get3A_277, %get3A_278] {strides = array<i32>} : memref<128x128xi32, #tpu.memory_space<vmem>>, vector<16xi32>,
          %bitcast3A_280 = vector.bitcast %get3A_279 : vector<16xi32> to vector<32xbf16>
          %max3A_281 = arith.maximumf %while3A_238, %bitcast3A_280 : vector<32xbf16>
          %add3A_282 = arith.addi %while3A_231, %max3A_176 : i32
          %get3A_283 = arith.index_cast %add3A_282 : i32 to index
          %get3A_284 = arith.constant 112 : index
          %get3A_285 = tpu.vector_load %arg12[%get3A_283, %get3A_284] {strides = array<i32>} : memref<128x128xi32, #tpu.memory_space<vmem>>, vector<16xi32>,
          %bitcast3A_286 = vector.bitcast %get3A_285 : vector<16xi32> to vector<32xbf16>
          %max3A_287 = arith.maximumf %while3A_239, %bitcast3A_286 : vector<32xbf16>
          scf.yield %max3A_245, %max3A_251, %max3A_257, %max3A_263, %max3A_269, %max3A_275, %max3A_281, %max3A_287 : vector<32xbf16>, vector<32xbf16>, vector<32xbf16>, vector<32xbf16>, vector<32xbf16>, vector<32xbf16>, vector<32xbf16>, vector<32xbf16>
        }
        %lt3A_208 = arith.cmpi slt, %max3A_197, %min3A_182 : i32
        %convert_element_type3A_209 = arith.extui %lt3A_208 : i1 to i32
        %cond3A_210 = arith.constant 0 : i32
        %cond3A_211 = arith.cmpi ne, %convert_element_type3A_209, %cond3A_210 : i32
        scf.if %cond3A_211 {
          %bitcast3A_231 = vector.bitcast %while3A_207#0 : vector<32xbf16> to vector<16xi32>
          %swap3A_232 = arith.index_cast %while3A_185 : i32 to index
          %swap3A_233 = arith.constant 0 : index
          %swap3A_234 = tpu.vector_load %arg13[%swap3A_232, %swap3A_233] {strides = array<i32>} : memref<320x128xi32, #tpu.memory_space<vmem>>, vector<16xi32>,
          tpu.vector_store %arg13[%swap3A_232, %swap3A_233], %bitcast3A_231 {strides = array<i32>} : memref<320x128xi32, #tpu.memory_space<vmem>>, vector<16xi32>,
          %bitcast3A_235 = vector.bitcast %while3A_207#1 : vector<32xbf16> to vector<16xi32>
          %swap3A_236 = arith.index_cast %while3A_185 : i32 to index
          %swap3A_237 = arith.constant 16 : index
          %swap3A_238 = tpu.vector_load %arg13[%swap3A_236, %swap3A_237] {strides = array<i32>} : memref<320x128xi32, #tpu.memory_space<vmem>>, vector<16xi32>,
          tpu.vector_store %arg13[%swap3A_236, %swap3A_237], %bitcast3A_235 {strides = array<i32>} : memref<320x128xi32, #tpu.memory_space<vmem>>, vector<16xi32>,
          %bitcast3A_239 = vector.bitcast %while3A_207#2 : vector<32xbf16> to vector<16xi32>
          %swap3A_240 = arith.index_cast %while3A_185 : i32 to index
          %swap3A_241 = arith.constant 32 : index
          %swap3A_242 = tpu.vector_load %arg13[%swap3A_240, %swap3A_241] {strides = array<i32>} : memref<320x128xi32, #tpu.memory_space<vmem>>, vector<16xi32>,
          tpu.vector_store %arg13[%swap3A_240, %swap3A_241], %bitcast3A_239 {strides = array<i32>} : memref<320x128xi32, #tpu.memory_space<vmem>>, vector<16xi32>,
          %bitcast3A_243 = vector.bitcast %while3A_207#3 : vector<32xbf16> to vector<16xi32>
          %swap3A_244 = arith.index_cast %while3A_185 : i32 to index
          %swap3A_245 = arith.constant 48 : index
          %swap3A_246 = tpu.vector_load %arg13[%swap3A_244, %swap3A_245] {strides = array<i32>} : memref<320x128xi32, #tpu.memory_space<vmem>>, vector<16xi32>,
          tpu.vector_store %arg13[%swap3A_244, %swap3A_245], %bitcast3A_243 {strides = array<i32>} : memref<320x128xi32, #tpu.memory_space<vmem>>, vector<16xi32>,
          %bitcast3A_247 = vector.bitcast %while3A_207#4 : vector<32xbf16> to vector<16xi32>
          %swap3A_248 = arith.index_cast %while3A_185 : i32 to index
          %swap3A_249 = arith.constant 64 : index
          %swap3A_250 = tpu.vector_load %arg13[%swap3A_248, %swap3A_249] {strides = array<i32>} : memref<320x128xi32, #tpu.memory_space<vmem>>, vector<16xi32>,
          tpu.vector_store %arg13[%swap3A_248, %swap3A_249], %bitcast3A_247 {strides = array<i32>} : memref<320x128xi32, #tpu.memory_space<vmem>>, vector<16xi32>,
          %bitcast3A_251 = vector.bitcast %while3A_207#5 : vector<32xbf16> to vector<16xi32>
          %swap3A_252 = arith.index_cast %while3A_185 : i32 to index
          %swap3A_253 = arith.constant 80 : index
          %swap3A_254 = tpu.vector_load %arg13[%swap3A_252, %swap3A_253] {strides = array<i32>} : memref<320x128xi32, #tpu.memory_space<vmem>>, vector<16xi32>,
          tpu.vector_store %arg13[%swap3A_252, %swap3A_253], %bitcast3A_251 {strides = array<i32>} : memref<320x128xi32, #tpu.memory_space<vmem>>, vector<16xi32>,
          %bitcast3A_255 = vector.bitcast %while3A_207#6 : vector<32xbf16> to vector<16xi32>
          %swap3A_256 = arith.index_cast %while3A_185 : i32 to index
          %swap3A_257 = arith.constant 96 : index
          %swap3A_258 = tpu.vector_load %arg13[%swap3A_256, %swap3A_257] {strides = array<i32>} : memref<320x128xi32, #tpu.memory_space<vmem>>, vector<16xi32>,
          tpu.vector_store %arg13[%swap3A_256, %swap3A_257], %bitcast3A_255 {strides = array<i32>} : memref<320x128xi32, #tpu.memory_space<vmem>>, vector<16xi32>,
          %bitcast3A_259 = vector.bitcast %while3A_207#7 : vector<32xbf16> to vector<16xi32>
          %swap3A_260 = arith.index_cast %while3A_185 : i32 to index
          %swap3A_261 = arith.constant 112 : index
          %swap3A_262 = tpu.vector_load %arg13[%swap3A_260, %swap3A_261] {strides = array<i32>} : memref<320x128xi32, #tpu.memory_space<vmem>>, vector<16xi32>,
          tpu.vector_store %arg13[%swap3A_260, %swap3A_261], %bitcast3A_259 {strides = array<i32>} : memref<320x128xi32, #tpu.memory_space<vmem>>, vector<16xi32>,
        } else {
        }
        %add3A_212 = arith.constant 2 : i32
        %add3A_213 = arith.addi %while3A_185, %add3A_212 : i32
        %add3A_214 = arith.addi %add3A_213, %sub3A : i32
        %get3A_215 = arith.index_cast %add3A_214 : i32 to index
        %get3A_216 = tpu.vector_load %arg7[%get3A_215] {strides = array<i32>} : memref<384xi32, #tpu.memory_space<vmem>>, vector<16xi32>,
        %slice3A_217 = vector.extract_strided_slice %get3A_216 {offsets = [0], sizes = [1], strides = [1]} : vector<16xi32> to vector<1xi32>
        %squeeze3A_218 = vector.extract %slice3A_217[0] : i32 from vector<1xi32>
        %add3A_219 = arith.constant 1 : i32
        %add3A_220 = arith.addi %while3A_185, %add3A_219 : i32
        %select_n3A_221 = arith.select %lt3A_208, %add3A_220, %while3A_185 : i32
        %select_n3A_222 = arith.select %lt3A_208, %squeeze3A_218, %while3A_186 : i32
        %select_n3A_223 = arith.select %lt3A_208, %broadcast_in_dim3A_29, %while3A_207#0 : vector<32xbf16>
        %select_n3A_224 = arith.select %lt3A_208, %broadcast_in_dim3A_29, %while3A_207#1 : vector<32xbf16>
        %select_n3A_225 = arith.select %lt3A_208, %broadcast_in_dim3A_29, %while3A_207#2 : vector<32xbf16>
        %select_n3A_226 = arith.select %lt3A_208, %broadcast_in_dim3A_29, %while3A_207#3 : vector<32xbf16>
        %select_n3A_227 = arith.select %lt3A_208, %broadcast_in_dim3A_29, %while3A_207#4 : vector<32xbf16>
        %select_n3A_228 = arith.select %lt3A_208, %broadcast_in_dim3A_29, %while3A_207#5 : vector<32xbf16>
        %select_n3A_229 = arith.select %lt3A_208, %broadcast_in_dim3A_29, %while3A_207#6 : vector<32xbf16>
        %select_n3A_230 = arith.select %lt3A_208, %broadcast_in_dim3A_29, %while3A_207#7 : vector<32xbf16>
        scf.yield %max3A_197, %select_n3A_221, %select_n3A_222, %select_n3A_223, %select_n3A_224, %select_n3A_225, %select_n3A_226, %select_n3A_227, %select_n3A_228, %select_n3A_229, %select_n3A_230 : i32, i32, i32, vector<32xbf16>, vector<32xbf16>, vector<32xbf16>, vector<32xbf16>, vector<32xbf16>, vector<32xbf16>, vector<32xbf16>, vector<32xbf16>
      }
      scf.yield %while3A_183#1, %while3A_183#2, %while3A_183#3, %while3A_183#4, %while3A_183#5, %while3A_183#6, %while3A_183#7, %while3A_183#8, %while3A_183#9, %while3A_183#10 : i32, i32, vector<32xbf16>, vector<32xbf16>, vector<32xbf16>, vector<32xbf16>, vector<32xbf16>, vector<32xbf16>, vector<32xbf16>, vector<32xbf16>
    }
    %while3A_62 = arith.constant 1 : i32
    %while3A_63:10 = scf.for %while3A_109 = %while3A_59 to %while3A_55 step %while3A_62 iter_args(%while3A_110 = %while3A_61#0, %while3A_111 = %while3A_61#1, %while3A_112 = %while3A_61#2, %while3A_113 = %while3A_61#3, %while3A_114 = %while3A_61#4, %while3A_115 = %while3A_61#5, %while3A_116 = %while3A_61#6, %while3A_117 = %while3A_61#7, %while3A_118 = %while3A_61#8, %while3A_119 = %while3A_61#9) -> (i32, i32, vector<32xbf16>, vector<32xbf16>, vector<32xbf16>, vector<32xbf16>, vector<32xbf16>, vector<32xbf16>, vector<32xbf16>, vector<32xbf16>)  : i32 {
      %mul3A_120 = arith.constant 2 : i32
      %mul3A_121 = arith.muli %mul3A_120, %while3A_109 : i32
      %add3A_122 = arith.constant 1 : i32
      %add3A_123 = arith.addi %mul3A_121, %add3A_122 : i32
      %lt3A = arith.cmpi slt, %add3A_123, %div3A_27 : i32
      %convert_element_type3A_124 = arith.extui %lt3A : i1 to i32
      %cond3A_125 = arith.constant 0 : i32
      %cond3A_126 = arith.cmpi ne, %convert_element_type3A_124, %cond3A_125 : i32
      scf.if %cond3A_126 {
        %mul3A_184 = arith.constant 128 : i32
        %mul3A_185 = arith.muli %add3A_123, %mul3A_184 : i32
        %add3A_186 = arith.addi %and3A_23, %mul3A_185 : i32
        %min3A_187 = arith.constant 159872 : i32
        %min3A_188 = arith.minsi %add3A_186, %min3A_187 : i32
        %multiple_of3A_189 = tpu.assume_multiple %min3A_188, 8 : i32
        %dma_wait3A = tpu.memref_slice %arg4[%multiple_of3A_189] : memref<160000xi32, #tpu.memory_space<hbm>> -> memref<128xi32, #tpu.memory_space<hbm>>
        %dma_wait3A_190 = tpu.memref_slice %arg4[%multiple_of3A_189] : memref<160000xi32, #tpu.memory_space<hbm>> -> memref<128xi32, #tpu.memory_space<hbm>>
        tpu.wait_dma2 semaphore(%arg19 : memref<!tpu.dma_semaphore, #tpu.memory_space<semaphore_mem>>) src(%dma_wait3A_190 : memref<128xi32, #tpu.memory_space<hbm>>) dst(%arg10 : memref<128xi32, #tpu.memory_space<vmem>>)
        %dma_start3A = arith.constant 0 : i32
        %dma_start3A_191 = arith.constant 0 : i32
        %dma_start3A_192 = tpu.memref_slice %arg12[%dma_start3A, %dma_start3A_191] : memref<128x128xi32, #tpu.memory_space<vmem>> -> memref<64x128xi32, #tpu.memory_space<vmem>>
        %dma_start3A_193 = arith.constant 0 : i32
        %dma_start3A_194 = tpu.memref_slice %arg10[%dma_start3A_193] : memref<128xi32, #tpu.memory_space<vmem>> -> memref<64xi32, #tpu.memory_space<vmem>>
        %dma_start3A_195 = arith.constant 0 : i32
        %dma_start3A_196 = arith.constant 0 : i32
        %dma_start3A_197 = tpu.memref_slice %arg5[%dma_start3A_195, %dma_start3A_196] : memref<10000x128xi32, #tpu.memory_space<hbm>> -> memref<10000x128xi32, #tpu.memory_space<hbm>>
        tpu.enqueue_indirect_dma source(%dma_start3A_197 : memref<10000x128xi32, #tpu.memory_space<hbm>>) target(%dma_start3A_192 : memref<64x128xi32, #tpu.memory_space<vmem>>) offsets(%dma_start3A_194 : memref<64xi32, #tpu.memory_space<vmem>>) semaphore(%arg16 : memref<!tpu.dma_semaphore, #tpu.memory_space<semaphore_mem>>)
        %dma_start3A_198 = arith.constant 64 : i32
        %dma_start3A_199 = arith.constant 0 : i32
        %dma_start3A_200 = tpu.memref_slice %arg12[%dma_start3A_198, %dma_start3A_199] : memref<128x128xi32, #tpu.memory_space<vmem>> -> memref<64x128xi32, #tpu.memory_space<vmem>>
        %dma_start3A_201 = arith.constant 64 : i32
        %dma_start3A_202 = tpu.memref_slice %arg10[%dma_start3A_201] : memref<128xi32, #tpu.memory_space<vmem>> -> memref<64xi32, #tpu.memory_space<vmem>>
        %dma_start3A_203 = arith.constant 0 : i32
        %dma_start3A_204 = arith.constant 0 : i32
        %dma_start3A_205 = tpu.memref_slice %arg5[%dma_start3A_203, %dma_start3A_204] : memref<10000x128xi32, #tpu.memory_space<hbm>> -> memref<10000x128xi32, #tpu.memory_space<hbm>>
        tpu.enqueue_indirect_dma source(%dma_start3A_205 : memref<10000x128xi32, #tpu.memory_space<hbm>>) target(%dma_start3A_200 : memref<64x128xi32, #tpu.memory_space<vmem>>) offsets(%dma_start3A_202 : memref<64xi32, #tpu.memory_space<vmem>>) semaphore(%arg17 : memref<!tpu.dma_semaphore, #tpu.memory_space<semaphore_mem>>)
      } else {
      }
      %lt3A_127 = arith.cmpi slt, %mul3A_121, %div3A_27 : i32
      %convert_element_type3A_128 = arith.extui %lt3A_127 : i1 to i32
      %cond3A_129 = arith.constant 0 : i32
      %cond3A_130 = arith.cmpi ne, %convert_element_type3A_128, %cond3A_129 : i32
      scf.if %cond3A_130 {
        %dma_wait3A = arith.constant 0 : i32
        %dma_wait3A_184 = arith.constant 0 : i32
        %dma_wait3A_185 = tpu.memref_slice %arg11[%dma_wait3A, %dma_wait3A_184] : memref<128x128xi32, #tpu.memory_space<vmem>> -> memref<64x128xi32, #tpu.memory_space<vmem>>
        %dma_wait3A_186 = arith.constant 0 : i32
        %dma_wait3A_187 = tpu.memref_slice %arg9[%dma_wait3A_186] : memref<128xi32, #tpu.memory_space<vmem>> -> memref<64xi32, #tpu.memory_space<vmem>>
        %dma_wait3A_188 = arith.constant 0 : i32
        %dma_wait3A_189 = arith.constant 0 : i32
        %dma_wait3A_190 = tpu.memref_slice %arg5[%dma_wait3A_188, %dma_wait3A_189] : memref<10000x128xi32, #tpu.memory_space<hbm>> -> memref<10000x128xi32, #tpu.memory_space<hbm>>
        tpu.wait_indirect_dma semaphore(%arg14 : memref<!tpu.dma_semaphore, #tpu.memory_space<semaphore_mem>>) src(%dma_wait3A_190 : memref<10000x128xi32, #tpu.memory_space<hbm>>) dst(%dma_wait3A_185 : memref<64x128xi32, #tpu.memory_space<vmem>>)
        %dma_wait3A_191 = arith.constant 64 : i32
        %dma_wait3A_192 = arith.constant 0 : i32
        %dma_wait3A_193 = tpu.memref_slice %arg11[%dma_wait3A_191, %dma_wait3A_192] : memref<128x128xi32, #tpu.memory_space<vmem>> -> memref<64x128xi32, #tpu.memory_space<vmem>>
        %dma_wait3A_194 = arith.constant 64 : i32
        %dma_wait3A_195 = tpu.memref_slice %arg9[%dma_wait3A_194] : memref<128xi32, #tpu.memory_space<vmem>> -> memref<64xi32, #tpu.memory_space<vmem>>
        %dma_wait3A_196 = arith.constant 0 : i32
        %dma_wait3A_197 = arith.constant 0 : i32
        %dma_wait3A_198 = tpu.memref_slice %arg5[%dma_wait3A_196, %dma_wait3A_197] : memref<10000x128xi32, #tpu.memory_space<hbm>> -> memref<10000x128xi32, #tpu.memory_space<hbm>>
        tpu.wait_indirect_dma semaphore(%arg15 : memref<!tpu.dma_semaphore, #tpu.memory_space<semaphore_mem>>) src(%dma_wait3A_198 : memref<10000x128xi32, #tpu.memory_space<hbm>>) dst(%dma_wait3A_193 : memref<64x128xi32, #tpu.memory_space<vmem>>)
      } else {
      }
      %add3A_131 = arith.constant 2 : i32
      %add3A_132 = arith.addi %mul3A_121, %add3A_131 : i32
      %lt3A_133 = arith.cmpi slt, %add3A_132, %div3A_27 : i32
      %convert_element_type3A_134 = arith.extui %lt3A_133 : i1 to i32
      %cond3A_135 = arith.constant 0 : i32
      %cond3A_136 = arith.cmpi ne, %convert_element_type3A_134, %cond3A_135 : i32
      scf.if %cond3A_136 {
        %mul3A_184 = arith.constant 128 : i32
        %mul3A_185 = arith.muli %add3A_132, %mul3A_184 : i32
        %add3A_186 = arith.addi %and3A_23, %mul3A_185 : i32
        %min3A_187 = arith.constant 159872 : i32
        %min3A_188 = arith.minsi %add3A_186, %min3A_187 : i32
        %multiple_of3A_189 = tpu.assume_multiple %min3A_188, 8 : i32
        %dma_start3A = tpu.memref_slice %arg4[%multiple_of3A_189] : memref<160000xi32, #tpu.memory_space<hbm>> -> memref<128xi32, #tpu.memory_space<hbm>>
        %dma_start3A_190 = tpu.memref_slice %arg4[%multiple_of3A_189] : memref<160000xi32, #tpu.memory_space<hbm>> -> memref<128xi32, #tpu.memory_space<hbm>>
        tpu.enqueue_dma source(%dma_start3A_190 : memref<128xi32, #tpu.memory_space<hbm>>) target(%arg9 : memref<128xi32, #tpu.memory_space<vmem>>) target_semaphore(%arg18 : memref<!tpu.dma_semaphore, #tpu.memory_space<semaphore_mem>>)
      } else {
      }
      %mul3A_137 = arith.constant 128 : i32
      %mul3A_138 = arith.muli %mul3A_121, %mul3A_137 : i32
      %add3A_139 = arith.addi %and3A_23, %mul3A_138 : i32
      %sub3A_140 = arith.constant 159872 : i32
      %sub3A_141 = arith.subi %add3A_139, %sub3A_140 : i32
      %max3A = arith.constant 0 : i32
      %max3A_142 = arith.maxsi %max3A, %sub3A_141 : i32
      %sub3A_143 = arith.subi %squeeze3A, %add3A_139 : i32
      %max3A_144 = arith.constant 0 : i32
      %max3A_145 = arith.maxsi %max3A_144, %sub3A_143 : i32
      %sub3A_146 = arith.subi %select_n3A, %add3A_139 : i32
      %min3A_147 = arith.constant 128 : i32
      %min3A_148 = arith.minsi %min3A_147, %sub3A_146 : i32
      %while3A_149:11 = scf.while (%while3A_184 = %max3A_145, %while3A_185 = %while3A_110, %while3A_186 = %while3A_111, %while3A_187 = %while3A_112, %while3A_188 = %while3A_113, %while3A_189 = %while3A_114, %while3A_190 = %while3A_115, %while3A_191 = %while3A_116, %while3A_192 = %while3A_117, %while3A_193 = %while3A_118, %while3A_194 = %while3A_119) : (i32, i32, i32, vector<32xbf16>, vector<32xbf16>, vector<32xbf16>, vector<32xbf16>, vector<32xbf16>, vector<32xbf16>, vector<32xbf16>, vector<32xbf16>) -> (i32, i32, i32, vector<32xbf16>, vector<32xbf16>, vector<32xbf16>, vector<32xbf16>, vector<32xbf16>, vector<32xbf16>, vector<32xbf16>, vector<32xbf16>) {
        %lt3A_195 = arith.cmpi slt, %while3A_184, %min3A_148 : i32
        scf.condition(%lt3A_195) %while3A_184, %while3A_185, %while3A_186, %while3A_187, %while3A_188, %while3A_189, %while3A_190, %while3A_191, %while3A_192, %while3A_193, %while3A_194 : i32, i32, i32, vector<32xbf16>, vector<32xbf16>, vector<32xbf16>, vector<32xbf16>, vector<32xbf16>, vector<32xbf16>, vector<32xbf16>, vector<32xbf16>
      } do {
      ^bb0(%while3A_184: i32, %while3A_185: i32, %while3A_186: i32, %while3A_187: vector<32xbf16>, %while3A_188: vector<32xbf16>, %while3A_189: vector<32xbf16>, %while3A_190: vector<32xbf16>, %while3A_191: vector<32xbf16>, %while3A_192: vector<32xbf16>, %while3A_193: vector<32xbf16>, %while3A_194: vector<32xbf16>):
        %sub3A_195 = arith.subi %while3A_186, %add3A_139 : i32
        %min3A_196 = arith.minsi %min3A_148, %sub3A_195 : i32
        %max3A_197 = arith.maxsi %while3A_184, %min3A_196 : i32
        %while3A_198 = arith.subi %max3A_197, %while3A_184 : i32
        %while3A_199 = arith.addi %while3A_184, %while3A_198 : i32
        %while3A_200 = arith.constant 1 : i32
        %while3A_201 = arith.divsi %while3A_198, %while3A_200 : i32
        %while3A_202 = arith.muli %while3A_201, %while3A_200 : i32
        %while3A_203 = arith.addi %while3A_184, %while3A_202 : i32
        %while3A_204 = arith.constant 1 : i32
        %while3A_205:8 = scf.for %while3A_231 = %while3A_184 to %while3A_203 step %while3A_204 iter_args(%while3A_232 = %while3A_187, %while3A_233 = %while3A_188, %while3A_234 = %while3A_189, %while3A_235 = %while3A_190, %while3A_236 = %while3A_191, %while3A_237 = %while3A_192, %while3A_238 = %while3A_193, %while3A_239 = %while3A_194) -> (vector<32xbf16>, vector<32xbf16>, vector<32xbf16>, vector<32xbf16>, vector<32xbf16>, vector<32xbf16>, vector<32xbf16>, vector<32xbf16>)  : i32 {
          %add3A_240 = arith.addi %while3A_231, %max3A_142 : i32
          %get3A_241 = arith.index_cast %add3A_240 : i32 to index
          %get3A_242 = arith.constant 0 : index
          %get3A_243 = tpu.vector_load %arg11[%get3A_241, %get3A_242] {strides = array<i32>} : memref<128x128xi32, #tpu.memory_space<vmem>>, vector<16xi32>,
          %bitcast3A_244 = vector.bitcast %get3A_243 : vector<16xi32> to vector<32xbf16>
          %max3A_245 = arith.maximumf %while3A_232, %bitcast3A_244 : vector<32xbf16>
          %add3A_246 = arith.addi %while3A_231, %max3A_142 : i32
          %get3A_247 = arith.index_cast %add3A_246 : i32 to index
          %get3A_248 = arith.constant 16 : index
          %get3A_249 = tpu.vector_load %arg11[%get3A_247, %get3A_248] {strides = array<i32>} : memref<128x128xi32, #tpu.memory_space<vmem>>, vector<16xi32>,
          %bitcast3A_250 = vector.bitcast %get3A_249 : vector<16xi32> to vector<32xbf16>
          %max3A_251 = arith.maximumf %while3A_233, %bitcast3A_250 : vector<32xbf16>
          %add3A_252 = arith.addi %while3A_231, %max3A_142 : i32
          %get3A_253 = arith.index_cast %add3A_252 : i32 to index
          %get3A_254 = arith.constant 32 : index
          %get3A_255 = tpu.vector_load %arg11[%get3A_253, %get3A_254] {strides = array<i32>} : memref<128x128xi32, #tpu.memory_space<vmem>>, vector<16xi32>,
          %bitcast3A_256 = vector.bitcast %get3A_255 : vector<16xi32> to vector<32xbf16>
          %max3A_257 = arith.maximumf %while3A_234, %bitcast3A_256 : vector<32xbf16>
          %add3A_258 = arith.addi %while3A_231, %max3A_142 : i32
          %get3A_259 = arith.index_cast %add3A_258 : i32 to index
          %get3A_260 = arith.constant 48 : index
          %get3A_261 = tpu.vector_load %arg11[%get3A_259, %get3A_260] {strides = array<i32>} : memref<128x128xi32, #tpu.memory_space<vmem>>, vector<16xi32>,
          %bitcast3A_262 = vector.bitcast %get3A_261 : vector<16xi32> to vector<32xbf16>
          %max3A_263 = arith.maximumf %while3A_235, %bitcast3A_262 : vector<32xbf16>
          %add3A_264 = arith.addi %while3A_231, %max3A_142 : i32
          %get3A_265 = arith.index_cast %add3A_264 : i32 to index
          %get3A_266 = arith.constant 64 : index
          %get3A_267 = tpu.vector_load %arg11[%get3A_265, %get3A_266] {strides = array<i32>} : memref<128x128xi32, #tpu.memory_space<vmem>>, vector<16xi32>,
          %bitcast3A_268 = vector.bitcast %get3A_267 : vector<16xi32> to vector<32xbf16>
          %max3A_269 = arith.maximumf %while3A_236, %bitcast3A_268 : vector<32xbf16>
          %add3A_270 = arith.addi %while3A_231, %max3A_142 : i32
          %get3A_271 = arith.index_cast %add3A_270 : i32 to index
          %get3A_272 = arith.constant 80 : index
          %get3A_273 = tpu.vector_load %arg11[%get3A_271, %get3A_272] {strides = array<i32>} : memref<128x128xi32, #tpu.memory_space<vmem>>, vector<16xi32>,
          %bitcast3A_274 = vector.bitcast %get3A_273 : vector<16xi32> to vector<32xbf16>
          %max3A_275 = arith.maximumf %while3A_237, %bitcast3A_274 : vector<32xbf16>
          %add3A_276 = arith.addi %while3A_231, %max3A_142 : i32
          %get3A_277 = arith.index_cast %add3A_276 : i32 to index
          %get3A_278 = arith.constant 96 : index
          %get3A_279 = tpu.vector_load %arg11[%get3A_277, %get3A_278] {strides = array<i32>} : memref<128x128xi32, #tpu.memory_space<vmem>>, vector<16xi32>,
          %bitcast3A_280 = vector.bitcast %get3A_279 : vector<16xi32> to vector<32xbf16>
          %max3A_281 = arith.maximumf %while3A_238, %bitcast3A_280 : vector<32xbf16>
          %add3A_282 = arith.addi %while3A_231, %max3A_142 : i32
          %get3A_283 = arith.index_cast %add3A_282 : i32 to index
          %get3A_284 = arith.constant 112 : index
          %get3A_285 = tpu.vector_load %arg11[%get3A_283, %get3A_284] {strides = array<i32>} : memref<128x128xi32, #tpu.memory_space<vmem>>, vector<16xi32>,
          %bitcast3A_286 = vector.bitcast %get3A_285 : vector<16xi32> to vector<32xbf16>
          %max3A_287 = arith.maximumf %while3A_239, %bitcast3A_286 : vector<32xbf16>
          scf.yield %max3A_245, %max3A_251, %max3A_257, %max3A_263, %max3A_269, %max3A_275, %max3A_281, %max3A_287 : vector<32xbf16>, vector<32xbf16>, vector<32xbf16>, vector<32xbf16>, vector<32xbf16>, vector<32xbf16>, vector<32xbf16>, vector<32xbf16>
        }
        %while3A_206 = arith.constant 1 : i32
        %while3A_207:8 = scf.for %while3A_231 = %while3A_203 to %while3A_199 step %while3A_206 iter_args(%while3A_232 = %while3A_205#0, %while3A_233 = %while3A_205#1, %while3A_234 = %while3A_205#2, %while3A_235 = %while3A_205#3, %while3A_236 = %while3A_205#4, %while3A_237 = %while3A_205#5, %while3A_238 = %while3A_205#6, %while3A_239 = %while3A_205#7) -> (vector<32xbf16>, vector<32xbf16>, vector<32xbf16>, vector<32xbf16>, vector<32xbf16>, vector<32xbf16>, vector<32xbf16>, vector<32xbf16>)  : i32 {
          %add3A_240 = arith.addi %while3A_231, %max3A_142 : i32
          %get3A_241 = arith.index_cast %add3A_240 : i32 to index
          %get3A_242 = arith.constant 0 : index
          %get3A_243 = tpu.vector_load %arg11[%get3A_241, %get3A_242] {strides = array<i32>} : memref<128x128xi32, #tpu.memory_space<vmem>>, vector<16xi32>,
          %bitcast3A_244 = vector.bitcast %get3A_243 : vector<16xi32> to vector<32xbf16>
          %max3A_245 = arith.maximumf %while3A_232, %bitcast3A_244 : vector<32xbf16>
          %add3A_246 = arith.addi %while3A_231, %max3A_142 : i32
          %get3A_247 = arith.index_cast %add3A_246 : i32 to index
          %get3A_248 = arith.constant 16 : index
          %get3A_249 = tpu.vector_load %arg11[%get3A_247, %get3A_248] {strides = array<i32>} : memref<128x128xi32, #tpu.memory_space<vmem>>, vector<16xi32>,
          %bitcast3A_250 = vector.bitcast %get3A_249 : vector<16xi32> to vector<32xbf16>
          %max3A_251 = arith.maximumf %while3A_233, %bitcast3A_250 : vector<32xbf16>
          %add3A_252 = arith.addi %while3A_231, %max3A_142 : i32
          %get3A_253 = arith.index_cast %add3A_252 : i32 to index
          %get3A_254 = arith.constant 32 : index
          %get3A_255 = tpu.vector_load %arg11[%get3A_253, %get3A_254] {strides = array<i32>} : memref<128x128xi32, #tpu.memory_space<vmem>>, vector<16xi32>,
          %bitcast3A_256 = vector.bitcast %get3A_255 : vector<16xi32> to vector<32xbf16>
          %max3A_257 = arith.maximumf %while3A_234, %bitcast3A_256 : vector<32xbf16>
          %add3A_258 = arith.addi %while3A_231, %max3A_142 : i32
          %get3A_259 = arith.index_cast %add3A_258 : i32 to index
          %get3A_260 = arith.constant 48 : index
          %get3A_261 = tpu.vector_load %arg11[%get3A_259, %get3A_260] {strides = array<i32>} : memref<128x128xi32, #tpu.memory_space<vmem>>, vector<16xi32>,
          %bitcast3A_262 = vector.bitcast %get3A_261 : vector<16xi32> to vector<32xbf16>
          %max3A_263 = arith.maximumf %while3A_235, %bitcast3A_262 : vector<32xbf16>
          %add3A_264 = arith.addi %while3A_231, %max3A_142 : i32
          %get3A_265 = arith.index_cast %add3A_264 : i32 to index
          %get3A_266 = arith.constant 64 : index
          %get3A_267 = tpu.vector_load %arg11[%get3A_265, %get3A_266] {strides = array<i32>} : memref<128x128xi32, #tpu.memory_space<vmem>>, vector<16xi32>,
          %bitcast3A_268 = vector.bitcast %get3A_267 : vector<16xi32> to vector<32xbf16>
          %max3A_269 = arith.maximumf %while3A_236, %bitcast3A_268 : vector<32xbf16>
          %add3A_270 = arith.addi %while3A_231, %max3A_142 : i32
          %get3A_271 = arith.index_cast %add3A_270 : i32 to index
          %get3A_272 = arith.constant 80 : index
          %get3A_273 = tpu.vector_load %arg11[%get3A_271, %get3A_272] {strides = array<i32>} : memref<128x128xi32, #tpu.memory_space<vmem>>, vector<16xi32>,
          %bitcast3A_274 = vector.bitcast %get3A_273 : vector<16xi32> to vector<32xbf16>
          %max3A_275 = arith.maximumf %while3A_237, %bitcast3A_274 : vector<32xbf16>
          %add3A_276 = arith.addi %while3A_231, %max3A_142 : i32
          %get3A_277 = arith.index_cast %add3A_276 : i32 to index
          %get3A_278 = arith.constant 96 : index
          %get3A_279 = tpu.vector_load %arg11[%get3A_277, %get3A_278] {strides = array<i32>} : memref<128x128xi32, #tpu.memory_space<vmem>>, vector<16xi32>,
          %bitcast3A_280 = vector.bitcast %get3A_279 : vector<16xi32> to vector<32xbf16>
          %max3A_281 = arith.maximumf %while3A_238, %bitcast3A_280 : vector<32xbf16>
          %add3A_282 = arith.addi %while3A_231, %max3A_142 : i32
          %get3A_283 = arith.index_cast %add3A_282 : i32 to index
          %get3A_284 = arith.constant 112 : index
          %get3A_285 = tpu.vector_load %arg11[%get3A_283, %get3A_284] {strides = array<i32>} : memref<128x128xi32, #tpu.memory_space<vmem>>, vector<16xi32>,
          %bitcast3A_286 = vector.bitcast %get3A_285 : vector<16xi32> to vector<32xbf16>
          %max3A_287 = arith.maximumf %while3A_239, %bitcast3A_286 : vector<32xbf16>
          scf.yield %max3A_245, %max3A_251, %max3A_257, %max3A_263, %max3A_269, %max3A_275, %max3A_281, %max3A_287 : vector<32xbf16>, vector<32xbf16>, vector<32xbf16>, vector<32xbf16>, vector<32xbf16>, vector<32xbf16>, vector<32xbf16>, vector<32xbf16>
        }
        %lt3A_208 = arith.cmpi slt, %max3A_197, %min3A_148 : i32
        %convert_element_type3A_209 = arith.extui %lt3A_208 : i1 to i32
        %cond3A_210 = arith.constant 0 : i32
        %cond3A_211 = arith.cmpi ne, %convert_element_type3A_209, %cond3A_210 : i32
        scf.if %cond3A_211 {
          %bitcast3A_231 = vector.bitcast %while3A_207#0 : vector<32xbf16> to vector<16xi32>
          %swap3A_232 = arith.index_cast %while3A_185 : i32 to index
          %swap3A_233 = arith.constant 0 : index
          %swap3A_234 = tpu.vector_load %arg13[%swap3A_232, %swap3A_233] {strides = array<i32>} : memref<320x128xi32, #tpu.memory_space<vmem>>, vector<16xi32>,
          tpu.vector_store %arg13[%swap3A_232, %swap3A_233], %bitcast3A_231 {strides = array<i32>} : memref<320x128xi32, #tpu.memory_space<vmem>>, vector<16xi32>,
          %bitcast3A_235 = vector.bitcast %while3A_207#1 : vector<32xbf16> to vector<16xi32>
          %swap3A_236 = arith.index_cast %while3A_185 : i32 to index
          %swap3A_237 = arith.constant 16 : index
          %swap3A_238 = tpu.vector_load %arg13[%swap3A_236, %swap3A_237] {strides = array<i32>} : memref<320x128xi32, #tpu.memory_space<vmem>>, vector<16xi32>,
          tpu.vector_store %arg13[%swap3A_236, %swap3A_237], %bitcast3A_235 {strides = array<i32>} : memref<320x128xi32, #tpu.memory_space<vmem>>, vector<16xi32>,
          %bitcast3A_239 = vector.bitcast %while3A_207#2 : vector<32xbf16> to vector<16xi32>
          %swap3A_240 = arith.index_cast %while3A_185 : i32 to index
          %swap3A_241 = arith.constant 32 : index
          %swap3A_242 = tpu.vector_load %arg13[%swap3A_240, %swap3A_241] {strides = array<i32>} : memref<320x128xi32, #tpu.memory_space<vmem>>, vector<16xi32>,
          tpu.vector_store %arg13[%swap3A_240, %swap3A_241], %bitcast3A_239 {strides = array<i32>} : memref<320x128xi32, #tpu.memory_space<vmem>>, vector<16xi32>,
          %bitcast3A_243 = vector.bitcast %while3A_207#3 : vector<32xbf16> to vector<16xi32>
          %swap3A_244 = arith.index_cast %while3A_185 : i32 to index
          %swap3A_245 = arith.constant 48 : index
          %swap3A_246 = tpu.vector_load %arg13[%swap3A_244, %swap3A_245] {strides = array<i32>} : memref<320x128xi32, #tpu.memory_space<vmem>>, vector<16xi32>,
          tpu.vector_store %arg13[%swap3A_244, %swap3A_245], %bitcast3A_243 {strides = array<i32>} : memref<320x128xi32, #tpu.memory_space<vmem>>, vector<16xi32>,
          %bitcast3A_247 = vector.bitcast %while3A_207#4 : vector<32xbf16> to vector<16xi32>
          %swap3A_248 = arith.index_cast %while3A_185 : i32 to index
          %swap3A_249 = arith.constant 64 : index
          %swap3A_250 = tpu.vector_load %arg13[%swap3A_248, %swap3A_249] {strides = array<i32>} : memref<320x128xi32, #tpu.memory_space<vmem>>, vector<16xi32>,
          tpu.vector_store %arg13[%swap3A_248, %swap3A_249], %bitcast3A_247 {strides = array<i32>} : memref<320x128xi32, #tpu.memory_space<vmem>>, vector<16xi32>,
          %bitcast3A_251 = vector.bitcast %while3A_207#5 : vector<32xbf16> to vector<16xi32>
          %swap3A_252 = arith.index_cast %while3A_185 : i32 to index
          %swap3A_253 = arith.constant 80 : index
          %swap3A_254 = tpu.vector_load %arg13[%swap3A_252, %swap3A_253] {strides = array<i32>} : memref<320x128xi32, #tpu.memory_space<vmem>>, vector<16xi32>,
          tpu.vector_store %arg13[%swap3A_252, %swap3A_253], %bitcast3A_251 {strides = array<i32>} : memref<320x128xi32, #tpu.memory_space<vmem>>, vector<16xi32>,
          %bitcast3A_255 = vector.bitcast %while3A_207#6 : vector<32xbf16> to vector<16xi32>
          %swap3A_256 = arith.index_cast %while3A_185 : i32 to index
          %swap3A_257 = arith.constant 96 : index
          %swap3A_258 = tpu.vector_load %arg13[%swap3A_256, %swap3A_257] {strides = array<i32>} : memref<320x128xi32, #tpu.memory_space<vmem>>, vector<16xi32>,
          tpu.vector_store %arg13[%swap3A_256, %swap3A_257], %bitcast3A_255 {strides = array<i32>} : memref<320x128xi32, #tpu.memory_space<vmem>>, vector<16xi32>,
          %bitcast3A_259 = vector.bitcast %while3A_207#7 : vector<32xbf16> to vector<16xi32>
          %swap3A_260 = arith.index_cast %while3A_185 : i32 to index
          %swap3A_261 = arith.constant 112 : index
          %swap3A_262 = tpu.vector_load %arg13[%swap3A_260, %swap3A_261] {strides = array<i32>} : memref<320x128xi32, #tpu.memory_space<vmem>>, vector<16xi32>,
          tpu.vector_store %arg13[%swap3A_260, %swap3A_261], %bitcast3A_259 {strides = array<i32>} : memref<320x128xi32, #tpu.memory_space<vmem>>, vector<16xi32>,
        } else {
        }
        %add3A_212 = arith.constant 2 : i32
        %add3A_213 = arith.addi %while3A_185, %add3A_212 : i32
        %add3A_214 = arith.addi %add3A_213, %sub3A : i32
        %get3A_215 = arith.index_cast %add3A_214 : i32 to index
        %get3A_216 = tpu.vector_load %arg7[%get3A_215] {strides = array<i32>} : memref<384xi32, #tpu.memory_space<vmem>>, vector<16xi32>,
        %slice3A_217 = vector.extract_strided_slice %get3A_216 {offsets = [0], sizes = [1], strides = [1]} : vector<16xi32> to vector<1xi32>
        %squeeze3A_218 = vector.extract %slice3A_217[0] : i32 from vector<1xi32>
        %add3A_219 = arith.constant 1 : i32
        %add3A_220 = arith.addi %while3A_185, %add3A_219 : i32
        %select_n3A_221 = arith.select %lt3A_208, %add3A_220, %while3A_185 : i32
        %select_n3A_222 = arith.select %lt3A_208, %squeeze3A_218, %while3A_186 : i32
        %select_n3A_223 = arith.select %lt3A_208, %broadcast_in_dim3A_29, %while3A_207#0 : vector<32xbf16>
        %select_n3A_224 = arith.select %lt3A_208, %broadcast_in_dim3A_29, %while3A_207#1 : vector<32xbf16>
        %select_n3A_225 = arith.select %lt3A_208, %broadcast_in_dim3A_29, %while3A_207#2 : vector<32xbf16>
        %select_n3A_226 = arith.select %lt3A_208, %broadcast_in_dim3A_29, %while3A_207#3 : vector<32xbf16>
        %select_n3A_227 = arith.select %lt3A_208, %broadcast_in_dim3A_29, %while3A_207#4 : vector<32xbf16>
        %select_n3A_228 = arith.select %lt3A_208, %broadcast_in_dim3A_29, %while3A_207#5 : vector<32xbf16>
        %select_n3A_229 = arith.select %lt3A_208, %broadcast_in_dim3A_29, %while3A_207#6 : vector<32xbf16>
        %select_n3A_230 = arith.select %lt3A_208, %broadcast_in_dim3A_29, %while3A_207#7 : vector<32xbf16>
        scf.yield %max3A_197, %select_n3A_221, %select_n3A_222, %select_n3A_223, %select_n3A_224, %select_n3A_225, %select_n3A_226, %select_n3A_227, %select_n3A_228, %select_n3A_229, %select_n3A_230 : i32, i32, i32, vector<32xbf16>, vector<32xbf16>, vector<32xbf16>, vector<32xbf16>, vector<32xbf16>, vector<32xbf16>, vector<32xbf16>, vector<32xbf16>
      }
      %add3A_150 = arith.constant 2 : i32
      %add3A_151 = arith.addi %mul3A_121, %add3A_150 : i32
      %lt3A_152 = arith.cmpi slt, %add3A_151, %div3A_27 : i32
      %convert_element_type3A_153 = arith.extui %lt3A_152 : i1 to i32
      %cond3A_154 = arith.constant 0 : i32
      %cond3A_155 = arith.cmpi ne, %convert_element_type3A_153, %cond3A_154 : i32
      scf.if %cond3A_155 {
        %mul3A_184 = arith.constant 128 : i32
        %mul3A_185 = arith.muli %add3A_151, %mul3A_184 : i32
        %add3A_186 = arith.addi %and3A_23, %mul3A_185 : i32
        %min3A_187 = arith.constant 159872 : i32
        %min3A_188 = arith.minsi %add3A_186, %min3A_187 : i32
        %multiple_of3A_189 = tpu.assume_multiple %min3A_188, 8 : i32
        %dma_wait3A = tpu.memref_slice %arg4[%multiple_of3A_189] : memref<160000xi32, #tpu.memory_space<hbm>> -> memref<128xi32, #tpu.memory_space<hbm>>
        %dma_wait3A_190 = tpu.memref_slice %arg4[%multiple_of3A_189] : memref<160000xi32, #tpu.memory_space<hbm>> -> memref<128xi32, #tpu.memory_space<hbm>>
        tpu.wait_dma2 semaphore(%arg18 : memref<!tpu.dma_semaphore, #tpu.memory_space<semaphore_mem>>) src(%dma_wait3A_190 : memref<128xi32, #tpu.memory_space<hbm>>) dst(%arg9 : memref<128xi32, #tpu.memory_space<vmem>>)
        %dma_start3A = arith.constant 0 : i32
        %dma_start3A_191 = arith.constant 0 : i32
        %dma_start3A_192 = tpu.memref_slice %arg11[%dma_start3A, %dma_start3A_191] : memref<128x128xi32, #tpu.memory_space<vmem>> -> memref<64x128xi32, #tpu.memory_space<vmem>>
        %dma_start3A_193 = arith.constant 0 : i32
        %dma_start3A_194 = tpu.memref_slice %arg9[%dma_start3A_193] : memref<128xi32, #tpu.memory_space<vmem>> -> memref<64xi32, #tpu.memory_space<vmem>>
        %dma_start3A_195 = arith.constant 0 : i32
        %dma_start3A_196 = arith.constant 0 : i32
        %dma_start3A_197 = tpu.memref_slice %arg5[%dma_start3A_195, %dma_start3A_196] : memref<10000x128xi32, #tpu.memory_space<hbm>> -> memref<10000x128xi32, #tpu.memory_space<hbm>>
        tpu.enqueue_indirect_dma source(%dma_start3A_197 : memref<10000x128xi32, #tpu.memory_space<hbm>>) target(%dma_start3A_192 : memref<64x128xi32, #tpu.memory_space<vmem>>) offsets(%dma_start3A_194 : memref<64xi32, #tpu.memory_space<vmem>>) semaphore(%arg14 : memref<!tpu.dma_semaphore, #tpu.memory_space<semaphore_mem>>)
        %dma_start3A_198 = arith.constant 64 : i32
        %dma_start3A_199 = arith.constant 0 : i32
        %dma_start3A_200 = tpu.memref_slice %arg11[%dma_start3A_198, %dma_start3A_199] : memref<128x128xi32, #tpu.memory_space<vmem>> -> memref<64x128xi32, #tpu.memory_space<vmem>>
        %dma_start3A_201 = arith.constant 64 : i32
        %dma_start3A_202 = tpu.memref_slice %arg9[%dma_start3A_201] : memref<128xi32, #tpu.memory_space<vmem>> -> memref<64xi32, #tpu.memory_space<vmem>>
        %dma_start3A_203 = arith.constant 0 : i32
        %dma_start3A_204 = arith.constant 0 : i32
        %dma_start3A_205 = tpu.memref_slice %arg5[%dma_start3A_203, %dma_start3A_204] : memref<10000x128xi32, #tpu.memory_space<hbm>> -> memref<10000x128xi32, #tpu.memory_space<hbm>>
        tpu.enqueue_indirect_dma source(%dma_start3A_205 : memref<10000x128xi32, #tpu.memory_space<hbm>>) target(%dma_start3A_200 : memref<64x128xi32, #tpu.memory_space<vmem>>) offsets(%dma_start3A_202 : memref<64xi32, #tpu.memory_space<vmem>>) semaphore(%arg15 : memref<!tpu.dma_semaphore, #tpu.memory_space<semaphore_mem>>)
      } else {
      }
      %add3A_156 = arith.constant 1 : i32
      %add3A_157 = arith.addi %mul3A_121, %add3A_156 : i32
      %lt3A_158 = arith.cmpi slt, %add3A_157, %div3A_27 : i32
      %convert_element_type3A_159 = arith.extui %lt3A_158 : i1 to i32
      %cond3A_160 = arith.constant 0 : i32
      %cond3A_161 = arith.cmpi ne, %convert_element_type3A_159, %cond3A_160 : i32
      scf.if %cond3A_161 {
        %dma_wait3A = arith.constant 0 : i32
        %dma_wait3A_184 = arith.constant 0 : i32
        %dma_wait3A_185 = tpu.memref_slice %arg12[%dma_wait3A, %dma_wait3A_184] : memref<128x128xi32, #tpu.memory_space<vmem>> -> memref<64x128xi32, #tpu.memory_space<vmem>>
        %dma_wait3A_186 = arith.constant 0 : i32
        %dma_wait3A_187 = tpu.memref_slice %arg10[%dma_wait3A_186] : memref<128xi32, #tpu.memory_space<vmem>> -> memref<64xi32, #tpu.memory_space<vmem>>
        %dma_wait3A_188 = arith.constant 0 : i32
        %dma_wait3A_189 = arith.constant 0 : i32
        %dma_wait3A_190 = tpu.memref_slice %arg5[%dma_wait3A_188, %dma_wait3A_189] : memref<10000x128xi32, #tpu.memory_space<hbm>> -> memref<10000x128xi32, #tpu.memory_space<hbm>>
        tpu.wait_indirect_dma semaphore(%arg16 : memref<!tpu.dma_semaphore, #tpu.memory_space<semaphore_mem>>) src(%dma_wait3A_190 : memref<10000x128xi32, #tpu.memory_space<hbm>>) dst(%dma_wait3A_185 : memref<64x128xi32, #tpu.memory_space<vmem>>)
        %dma_wait3A_191 = arith.constant 64 : i32
        %dma_wait3A_192 = arith.constant 0 : i32
        %dma_wait3A_193 = tpu.memref_slice %arg12[%dma_wait3A_191, %dma_wait3A_192] : memref<128x128xi32, #tpu.memory_space<vmem>> -> memref<64x128xi32, #tpu.memory_space<vmem>>
        %dma_wait3A_194 = arith.constant 64 : i32
        %dma_wait3A_195 = tpu.memref_slice %arg10[%dma_wait3A_194] : memref<128xi32, #tpu.memory_space<vmem>> -> memref<64xi32, #tpu.memory_space<vmem>>
        %dma_wait3A_196 = arith.constant 0 : i32
        %dma_wait3A_197 = arith.constant 0 : i32
        %dma_wait3A_198 = tpu.memref_slice %arg5[%dma_wait3A_196, %dma_wait3A_197] : memref<10000x128xi32, #tpu.memory_space<hbm>> -> memref<10000x128xi32, #tpu.memory_space<hbm>>
        tpu.wait_indirect_dma semaphore(%arg17 : memref<!tpu.dma_semaphore, #tpu.memory_space<semaphore_mem>>) src(%dma_wait3A_198 : memref<10000x128xi32, #tpu.memory_space<hbm>>) dst(%dma_wait3A_193 : memref<64x128xi32, #tpu.memory_space<vmem>>)
      } else {
      }
      %add3A_162 = arith.constant 3 : i32
      %add3A_163 = arith.addi %mul3A_121, %add3A_162 : i32
      %lt3A_164 = arith.cmpi slt, %add3A_163, %div3A_27 : i32
      %convert_element_type3A_165 = arith.extui %lt3A_164 : i1 to i32
      %cond3A_166 = arith.constant 0 : i32
      %cond3A_167 = arith.cmpi ne, %convert_element_type3A_165, %cond3A_166 : i32
      scf.if %cond3A_167 {
        %mul3A_184 = arith.constant 128 : i32
        %mul3A_185 = arith.muli %add3A_163, %mul3A_184 : i32
        %add3A_186 = arith.addi %and3A_23, %mul3A_185 : i32
        %min3A_187 = arith.constant 159872 : i32
        %min3A_188 = arith.minsi %add3A_186, %min3A_187 : i32
        %multiple_of3A_189 = tpu.assume_multiple %min3A_188, 8 : i32
        %dma_start3A = tpu.memref_slice %arg4[%multiple_of3A_189] : memref<160000xi32, #tpu.memory_space<hbm>> -> memref<128xi32, #tpu.memory_space<hbm>>
        %dma_start3A_190 = tpu.memref_slice %arg4[%multiple_of3A_189] : memref<160000xi32, #tpu.memory_space<hbm>> -> memref<128xi32, #tpu.memory_space<hbm>>
        tpu.enqueue_dma source(%dma_start3A_190 : memref<128xi32, #tpu.memory_space<hbm>>) target(%arg10 : memref<128xi32, #tpu.memory_space<vmem>>) target_semaphore(%arg19 : memref<!tpu.dma_semaphore, #tpu.memory_space<semaphore_mem>>)
      } else {
      }
      %add3A_168 = arith.constant 1 : i32
      %add3A_169 = arith.addi %mul3A_121, %add3A_168 : i32
      %mul3A_170 = arith.constant 128 : i32
      %mul3A_171 = arith.muli %add3A_169, %mul3A_170 : i32
      %add3A_172 = arith.addi %and3A_23, %mul3A_171 : i32
      %sub3A_173 = arith.constant 159872 : i32
      %sub3A_174 = arith.subi %add3A_172, %sub3A_173 : i32
      %max3A_175 = arith.constant 0 : i32
      %max3A_176 = arith.maxsi %max3A_175, %sub3A_174 : i32
      %sub3A_177 = arith.subi %squeeze3A, %add3A_172 : i32
      %max3A_178 = arith.constant 0 : i32
      %max3A_179 = arith.maxsi %max3A_178, %sub3A_177 : i32
      %sub3A_180 = arith.subi %select_n3A, %add3A_172 : i32
      %min3A_181 = arith.constant 128 : i32
      %min3A_182 = arith.minsi %min3A_181, %sub3A_180 : i32
      %while3A_183:11 = scf.while (%while3A_184 = %max3A_179, %while3A_185 = %while3A_149#1, %while3A_186 = %while3A_149#2, %while3A_187 = %while3A_149#3, %while3A_188 = %while3A_149#4, %while3A_189 = %while3A_149#5, %while3A_190 = %while3A_149#6, %while3A_191 = %while3A_149#7, %while3A_192 = %while3A_149#8, %while3A_193 = %while3A_149#9, %while3A_194 = %while3A_149#10) : (i32, i32, i32, vector<32xbf16>, vector<32xbf16>, vector<32xbf16>, vector<32xbf16>, vector<32xbf16>, vector<32xbf16>, vector<32xbf16>, vector<32xbf16>) -> (i32, i32, i32, vector<32xbf16>, vector<32xbf16>, vector<32xbf16>, vector<32xbf16>, vector<32xbf16>, vector<32xbf16>, vector<32xbf16>, vector<32xbf16>) {
        %lt3A_195 = arith.cmpi slt, %while3A_184, %min3A_182 : i32
        scf.condition(%lt3A_195) %while3A_184, %while3A_185, %while3A_186, %while3A_187, %while3A_188, %while3A_189, %while3A_190, %while3A_191, %while3A_192, %while3A_193, %while3A_194 : i32, i32, i32, vector<32xbf16>, vector<32xbf16>, vector<32xbf16>, vector<32xbf16>, vector<32xbf16>, vector<32xbf16>, vector<32xbf16>, vector<32xbf16>
      } do {
      ^bb0(%while3A_184: i32, %while3A_185: i32, %while3A_186: i32, %while3A_187: vector<32xbf16>, %while3A_188: vector<32xbf16>, %while3A_189: vector<32xbf16>, %while3A_190: vector<32xbf16>, %while3A_191: vector<32xbf16>, %while3A_192: vector<32xbf16>, %while3A_193: vector<32xbf16>, %while3A_194: vector<32xbf16>):
        %sub3A_195 = arith.subi %while3A_186, %add3A_172 : i32
        %min3A_196 = arith.minsi %min3A_182, %sub3A_195 : i32
        %max3A_197 = arith.maxsi %while3A_184, %min3A_196 : i32
        %while3A_198 = arith.subi %max3A_197, %while3A_184 : i32
        %while3A_199 = arith.addi %while3A_184, %while3A_198 : i32
        %while3A_200 = arith.constant 1 : i32
        %while3A_201 = arith.divsi %while3A_198, %while3A_200 : i32
        %while3A_202 = arith.muli %while3A_201, %while3A_200 : i32
        %while3A_203 = arith.addi %while3A_184, %while3A_202 : i32
        %while3A_204 = arith.constant 1 : i32
        %while3A_205:8 = scf.for %while3A_231 = %while3A_184 to %while3A_203 step %while3A_204 iter_args(%while3A_232 = %while3A_187, %while3A_233 = %while3A_188, %while3A_234 = %while3A_189, %while3A_235 = %while3A_190, %while3A_236 = %while3A_191, %while3A_237 = %while3A_192, %while3A_238 = %while3A_193, %while3A_239 = %while3A_194) -> (vector<32xbf16>, vector<32xbf16>, vector<32xbf16>, vector<32xbf16>, vector<32xbf16>, vector<32xbf16>, vector<32xbf16>, vector<32xbf16>)  : i32 {
          %add3A_240 = arith.addi %while3A_231, %max3A_176 : i32
          %get3A_241 = arith.index_cast %add3A_240 : i32 to index
          %get3A_242 = arith.constant 0 : index
          %get3A_243 = tpu.vector_load %arg12[%get3A_241, %get3A_242] {strides = array<i32>} : memref<128x128xi32, #tpu.memory_space<vmem>>, vector<16xi32>,
          %bitcast3A_244 = vector.bitcast %get3A_243 : vector<16xi32> to vector<32xbf16>
          %max3A_245 = arith.maximumf %while3A_232, %bitcast3A_244 : vector<32xbf16>
          %add3A_246 = arith.addi %while3A_231, %max3A_176 : i32
          %get3A_247 = arith.index_cast %add3A_246 : i32 to index
          %get3A_248 = arith.constant 16 : index
          %get3A_249 = tpu.vector_load %arg12[%get3A_247, %get3A_248] {strides = array<i32>} : memref<128x128xi32, #tpu.memory_space<vmem>>, vector<16xi32>,
          %bitcast3A_250 = vector.bitcast %get3A_249 : vector<16xi32> to vector<32xbf16>
          %max3A_251 = arith.maximumf %while3A_233, %bitcast3A_250 : vector<32xbf16>
          %add3A_252 = arith.addi %while3A_231, %max3A_176 : i32
          %get3A_253 = arith.index_cast %add3A_252 : i32 to index
          %get3A_254 = arith.constant 32 : index
          %get3A_255 = tpu.vector_load %arg12[%get3A_253, %get3A_254] {strides = array<i32>} : memref<128x128xi32, #tpu.memory_space<vmem>>, vector<16xi32>,
          %bitcast3A_256 = vector.bitcast %get3A_255 : vector<16xi32> to vector<32xbf16>
          %max3A_257 = arith.maximumf %while3A_234, %bitcast3A_256 : vector<32xbf16>
          %add3A_258 = arith.addi %while3A_231, %max3A_176 : i32
          %get3A_259 = arith.index_cast %add3A_258 : i32 to index
          %get3A_260 = arith.constant 48 : index
          %get3A_261 = tpu.vector_load %arg12[%get3A_259, %get3A_260] {strides = array<i32>} : memref<128x128xi32, #tpu.memory_space<vmem>>, vector<16xi32>,
          %bitcast3A_262 = vector.bitcast %get3A_261 : vector<16xi32> to vector<32xbf16>
          %max3A_263 = arith.maximumf %while3A_235, %bitcast3A_262 : vector<32xbf16>
          %add3A_264 = arith.addi %while3A_231, %max3A_176 : i32
          %get3A_265 = arith.index_cast %add3A_264 : i32 to index
          %get3A_266 = arith.constant 64 : index
          %get3A_267 = tpu.vector_load %arg12[%get3A_265, %get3A_266] {strides = array<i32>} : memref<128x128xi32, #tpu.memory_space<vmem>>, vector<16xi32>,
          %bitcast3A_268 = vector.bitcast %get3A_267 : vector<16xi32> to vector<32xbf16>
          %max3A_269 = arith.maximumf %while3A_236, %bitcast3A_268 : vector<32xbf16>
          %add3A_270 = arith.addi %while3A_231, %max3A_176 : i32
          %get3A_271 = arith.index_cast %add3A_270 : i32 to index
          %get3A_272 = arith.constant 80 : index
          %get3A_273 = tpu.vector_load %arg12[%get3A_271, %get3A_272] {strides = array<i32>} : memref<128x128xi32, #tpu.memory_space<vmem>>, vector<16xi32>,
          %bitcast3A_274 = vector.bitcast %get3A_273 : vector<16xi32> to vector<32xbf16>
          %max3A_275 = arith.maximumf %while3A_237, %bitcast3A_274 : vector<32xbf16>
          %add3A_276 = arith.addi %while3A_231, %max3A_176 : i32
          %get3A_277 = arith.index_cast %add3A_276 : i32 to index
          %get3A_278 = arith.constant 96 : index
          %get3A_279 = tpu.vector_load %arg12[%get3A_277, %get3A_278] {strides = array<i32>} : memref<128x128xi32, #tpu.memory_space<vmem>>, vector<16xi32>,
          %bitcast3A_280 = vector.bitcast %get3A_279 : vector<16xi32> to vector<32xbf16>
          %max3A_281 = arith.maximumf %while3A_238, %bitcast3A_280 : vector<32xbf16>
          %add3A_282 = arith.addi %while3A_231, %max3A_176 : i32
          %get3A_283 = arith.index_cast %add3A_282 : i32 to index
          %get3A_284 = arith.constant 112 : index
          %get3A_285 = tpu.vector_load %arg12[%get3A_283, %get3A_284] {strides = array<i32>} : memref<128x128xi32, #tpu.memory_space<vmem>>, vector<16xi32>,
          %bitcast3A_286 = vector.bitcast %get3A_285 : vector<16xi32> to vector<32xbf16>
          %max3A_287 = arith.maximumf %while3A_239, %bitcast3A_286 : vector<32xbf16>
          scf.yield %max3A_245, %max3A_251, %max3A_257, %max3A_263, %max3A_269, %max3A_275, %max3A_281, %max3A_287 : vector<32xbf16>, vector<32xbf16>, vector<32xbf16>, vector<32xbf16>, vector<32xbf16>, vector<32xbf16>, vector<32xbf16>, vector<32xbf16>
        }
        %while3A_206 = arith.constant 1 : i32
        %while3A_207:8 = scf.for %while3A_231 = %while3A_203 to %while3A_199 step %while3A_206 iter_args(%while3A_232 = %while3A_205#0, %while3A_233 = %while3A_205#1, %while3A_234 = %while3A_205#2, %while3A_235 = %while3A_205#3, %while3A_236 = %while3A_205#4, %while3A_237 = %while3A_205#5, %while3A_238 = %while3A_205#6, %while3A_239 = %while3A_205#7) -> (vector<32xbf16>, vector<32xbf16>, vector<32xbf16>, vector<32xbf16>, vector<32xbf16>, vector<32xbf16>, vector<32xbf16>, vector<32xbf16>)  : i32 {
          %add3A_240 = arith.addi %while3A_231, %max3A_176 : i32
          %get3A_241 = arith.index_cast %add3A_240 : i32 to index
          %get3A_242 = arith.constant 0 : index
          %get3A_243 = tpu.vector_load %arg12[%get3A_241, %get3A_242] {strides = array<i32>} : memref<128x128xi32, #tpu.memory_space<vmem>>, vector<16xi32>,
          %bitcast3A_244 = vector.bitcast %get3A_243 : vector<16xi32> to vector<32xbf16>
          %max3A_245 = arith.maximumf %while3A_232, %bitcast3A_244 : vector<32xbf16>
          %add3A_246 = arith.addi %while3A_231, %max3A_176 : i32
          %get3A_247 = arith.index_cast %add3A_246 : i32 to index
          %get3A_248 = arith.constant 16 : index
          %get3A_249 = tpu.vector_load %arg12[%get3A_247, %get3A_248] {strides = array<i32>} : memref<128x128xi32, #tpu.memory_space<vmem>>, vector<16xi32>,
          %bitcast3A_250 = vector.bitcast %get3A_249 : vector<16xi32> to vector<32xbf16>
          %max3A_251 = arith.maximumf %while3A_233, %bitcast3A_250 : vector<32xbf16>
          %add3A_252 = arith.addi %while3A_231, %max3A_176 : i32
          %get3A_253 = arith.index_cast %add3A_252 : i32 to index
          %get3A_254 = arith.constant 32 : index
          %get3A_255 = tpu.vector_load %arg12[%get3A_253, %get3A_254] {strides = array<i32>} : memref<128x128xi32, #tpu.memory_space<vmem>>, vector<16xi32>,
          %bitcast3A_256 = vector.bitcast %get3A_255 : vector<16xi32> to vector<32xbf16>
          %max3A_257 = arith.maximumf %while3A_234, %bitcast3A_256 : vector<32xbf16>
          %add3A_258 = arith.addi %while3A_231, %max3A_176 : i32
          %get3A_259 = arith.index_cast %add3A_258 : i32 to index
          %get3A_260 = arith.constant 48 : index
          %get3A_261 = tpu.vector_load %arg12[%get3A_259, %get3A_260] {strides = array<i32>} : memref<128x128xi32, #tpu.memory_space<vmem>>, vector<16xi32>,
          %bitcast3A_262 = vector.bitcast %get3A_261 : vector<16xi32> to vector<32xbf16>
          %max3A_263 = arith.maximumf %while3A_235, %bitcast3A_262 : vector<32xbf16>
          %add3A_264 = arith.addi %while3A_231, %max3A_176 : i32
          %get3A_265 = arith.index_cast %add3A_264 : i32 to index
          %get3A_266 = arith.constant 64 : index
          %get3A_267 = tpu.vector_load %arg12[%get3A_265, %get3A_266] {strides = array<i32>} : memref<128x128xi32, #tpu.memory_space<vmem>>, vector<16xi32>,
          %bitcast3A_268 = vector.bitcast %get3A_267 : vector<16xi32> to vector<32xbf16>
          %max3A_269 = arith.maximumf %while3A_236, %bitcast3A_268 : vector<32xbf16>
          %add3A_270 = arith.addi %while3A_231, %max3A_176 : i32
          %get3A_271 = arith.index_cast %add3A_270 : i32 to index
          %get3A_272 = arith.constant 80 : index
          %get3A_273 = tpu.vector_load %arg12[%get3A_271, %get3A_272] {strides = array<i32>} : memref<128x128xi32, #tpu.memory_space<vmem>>, vector<16xi32>,
          %bitcast3A_274 = vector.bitcast %get3A_273 : vector<16xi32> to vector<32xbf16>
          %max3A_275 = arith.maximumf %while3A_237, %bitcast3A_274 : vector<32xbf16>
          %add3A_276 = arith.addi %while3A_231, %max3A_176 : i32
          %get3A_277 = arith.index_cast %add3A_276 : i32 to index
          %get3A_278 = arith.constant 96 : index
          %get3A_279 = tpu.vector_load %arg12[%get3A_277, %get3A_278] {strides = array<i32>} : memref<128x128xi32, #tpu.memory_space<vmem>>, vector<16xi32>,
          %bitcast3A_280 = vector.bitcast %get3A_279 : vector<16xi32> to vector<32xbf16>
          %max3A_281 = arith.maximumf %while3A_238, %bitcast3A_280 : vector<32xbf16>
          %add3A_282 = arith.addi %while3A_231, %max3A_176 : i32
          %get3A_283 = arith.index_cast %add3A_282 : i32 to index
          %get3A_284 = arith.constant 112 : index
          %get3A_285 = tpu.vector_load %arg12[%get3A_283, %get3A_284] {strides = array<i32>} : memref<128x128xi32, #tpu.memory_space<vmem>>, vector<16xi32>,
          %bitcast3A_286 = vector.bitcast %get3A_285 : vector<16xi32> to vector<32xbf16>
          %max3A_287 = arith.maximumf %while3A_239, %bitcast3A_286 : vector<32xbf16>
          scf.yield %max3A_245, %max3A_251, %max3A_257, %max3A_263, %max3A_269, %max3A_275, %max3A_281, %max3A_287 : vector<32xbf16>, vector<32xbf16>, vector<32xbf16>, vector<32xbf16>, vector<32xbf16>, vector<32xbf16>, vector<32xbf16>, vector<32xbf16>
        }
        %lt3A_208 = arith.cmpi slt, %max3A_197, %min3A_182 : i32
        %convert_element_type3A_209 = arith.extui %lt3A_208 : i1 to i32
        %cond3A_210 = arith.constant 0 : i32
        %cond3A_211 = arith.cmpi ne, %convert_element_type3A_209, %cond3A_210 : i32
        scf.if %cond3A_211 {
          %bitcast3A_231 = vector.bitcast %while3A_207#0 : vector<32xbf16> to vector<16xi32>
          %swap3A_232 = arith.index_cast %while3A_185 : i32 to index
          %swap3A_233 = arith.constant 0 : index
          %swap3A_234 = tpu.vector_load %arg13[%swap3A_232, %swap3A_233] {strides = array<i32>} : memref<320x128xi32, #tpu.memory_space<vmem>>, vector<16xi32>,
          tpu.vector_store %arg13[%swap3A_232, %swap3A_233], %bitcast3A_231 {strides = array<i32>} : memref<320x128xi32, #tpu.memory_space<vmem>>, vector<16xi32>,
          %bitcast3A_235 = vector.bitcast %while3A_207#1 : vector<32xbf16> to vector<16xi32>
          %swap3A_236 = arith.index_cast %while3A_185 : i32 to index
          %swap3A_237 = arith.constant 16 : index
          %swap3A_238 = tpu.vector_load %arg13[%swap3A_236, %swap3A_237] {strides = array<i32>} : memref<320x128xi32, #tpu.memory_space<vmem>>, vector<16xi32>,
          tpu.vector_store %arg13[%swap3A_236, %swap3A_237], %bitcast3A_235 {strides = array<i32>} : memref<320x128xi32, #tpu.memory_space<vmem>>, vector<16xi32>,
          %bitcast3A_239 = vector.bitcast %while3A_207#2 : vector<32xbf16> to vector<16xi32>
          %swap3A_240 = arith.index_cast %while3A_185 : i32 to index
          %swap3A_241 = arith.constant 32 : index
          %swap3A_242 = tpu.vector_load %arg13[%swap3A_240, %swap3A_241] {strides = array<i32>} : memref<320x128xi32, #tpu.memory_space<vmem>>, vector<16xi32>,
          tpu.vector_store %arg13[%swap3A_240, %swap3A_241], %bitcast3A_239 {strides = array<i32>} : memref<320x128xi32, #tpu.memory_space<vmem>>, vector<16xi32>,
          %bitcast3A_243 = vector.bitcast %while3A_207#3 : vector<32xbf16> to vector<16xi32>
          %swap3A_244 = arith.index_cast %while3A_185 : i32 to index
          %swap3A_245 = arith.constant 48 : index
          %swap3A_246 = tpu.vector_load %arg13[%swap3A_244, %swap3A_245] {strides = array<i32>} : memref<320x128xi32, #tpu.memory_space<vmem>>, vector<16xi32>,
          tpu.vector_store %arg13[%swap3A_244, %swap3A_245], %bitcast3A_243 {strides = array<i32>} : memref<320x128xi32, #tpu.memory_space<vmem>>, vector<16xi32>,
          %bitcast3A_247 = vector.bitcast %while3A_207#4 : vector<32xbf16> to vector<16xi32>
          %swap3A_248 = arith.index_cast %while3A_185 : i32 to index
          %swap3A_249 = arith.constant 64 : index
          %swap3A_250 = tpu.vector_load %arg13[%swap3A_248, %swap3A_249] {strides = array<i32>} : memref<320x128xi32, #tpu.memory_space<vmem>>, vector<16xi32>,
          tpu.vector_store %arg13[%swap3A_248, %swap3A_249], %bitcast3A_247 {strides = array<i32>} : memref<320x128xi32, #tpu.memory_space<vmem>>, vector<16xi32>,
          %bitcast3A_251 = vector.bitcast %while3A_207#5 : vector<32xbf16> to vector<16xi32>
          %swap3A_252 = arith.index_cast %while3A_185 : i32 to index
          %swap3A_253 = arith.constant 80 : index
          %swap3A_254 = tpu.vector_load %arg13[%swap3A_252, %swap3A_253] {strides = array<i32>} : memref<320x128xi32, #tpu.memory_space<vmem>>, vector<16xi32>,
          tpu.vector_store %arg13[%swap3A_252, %swap3A_253], %bitcast3A_251 {strides = array<i32>} : memref<320x128xi32, #tpu.memory_space<vmem>>, vector<16xi32>,
          %bitcast3A_255 = vector.bitcast %while3A_207#6 : vector<32xbf16> to vector<16xi32>
          %swap3A_256 = arith.index_cast %while3A_185 : i32 to index
          %swap3A_257 = arith.constant 96 : index
          %swap3A_258 = tpu.vector_load %arg13[%swap3A_256, %swap3A_257] {strides = array<i32>} : memref<320x128xi32, #tpu.memory_space<vmem>>, vector<16xi32>,
          tpu.vector_store %arg13[%swap3A_256, %swap3A_257], %bitcast3A_255 {strides = array<i32>} : memref<320x128xi32, #tpu.memory_space<vmem>>, vector<16xi32>,
          %bitcast3A_259 = vector.bitcast %while3A_207#7 : vector<32xbf16> to vector<16xi32>
          %swap3A_260 = arith.index_cast %while3A_185 : i32 to index
          %swap3A_261 = arith.constant 112 : index
          %swap3A_262 = tpu.vector_load %arg13[%swap3A_260, %swap3A_261] {strides = array<i32>} : memref<320x128xi32, #tpu.memory_space<vmem>>, vector<16xi32>,
          tpu.vector_store %arg13[%swap3A_260, %swap3A_261], %bitcast3A_259 {strides = array<i32>} : memref<320x128xi32, #tpu.memory_space<vmem>>, vector<16xi32>,
        } else {
        }
        %add3A_212 = arith.constant 2 : i32
        %add3A_213 = arith.addi %while3A_185, %add3A_212 : i32
        %add3A_214 = arith.addi %add3A_213, %sub3A : i32
        %get3A_215 = arith.index_cast %add3A_214 : i32 to index
        %get3A_216 = tpu.vector_load %arg7[%get3A_215] {strides = array<i32>} : memref<384xi32, #tpu.memory_space<vmem>>, vector<16xi32>,
        %slice3A_217 = vector.extract_strided_slice %get3A_216 {offsets = [0], sizes = [1], strides = [1]} : vector<16xi32> to vector<1xi32>
        %squeeze3A_218 = vector.extract %slice3A_217[0] : i32 from vector<1xi32>
        %add3A_219 = arith.constant 1 : i32
        %add3A_220 = arith.addi %while3A_185, %add3A_219 : i32
        %select_n3A_221 = arith.select %lt3A_208, %add3A_220, %while3A_185 : i32
        %select_n3A_222 = arith.select %lt3A_208, %squeeze3A_218, %while3A_186 : i32
        %select_n3A_223 = arith.select %lt3A_208, %broadcast_in_dim3A_29, %while3A_207#0 : vector<32xbf16>
        %select_n3A_224 = arith.select %lt3A_208, %broadcast_in_dim3A_29, %while3A_207#1 : vector<32xbf16>
        %select_n3A_225 = arith.select %lt3A_208, %broadcast_in_dim3A_29, %while3A_207#2 : vector<32xbf16>
        %select_n3A_226 = arith.select %lt3A_208, %broadcast_in_dim3A_29, %while3A_207#3 : vector<32xbf16>
        %select_n3A_227 = arith.select %lt3A_208, %broadcast_in_dim3A_29, %while3A_207#4 : vector<32xbf16>
        %select_n3A_228 = arith.select %lt3A_208, %broadcast_in_dim3A_29, %while3A_207#5 : vector<32xbf16>
        %select_n3A_229 = arith.select %lt3A_208, %broadcast_in_dim3A_29, %while3A_207#6 : vector<32xbf16>
        %select_n3A_230 = arith.select %lt3A_208, %broadcast_in_dim3A_29, %while3A_207#7 : vector<32xbf16>
        scf.yield %max3A_197, %select_n3A_221, %select_n3A_222, %select_n3A_223, %select_n3A_224, %select_n3A_225, %select_n3A_226, %select_n3A_227, %select_n3A_228, %select_n3A_229, %select_n3A_230 : i32, i32, i32, vector<32xbf16>, vector<32xbf16>, vector<32xbf16>, vector<32xbf16>, vector<32xbf16>, vector<32xbf16>, vector<32xbf16>, vector<32xbf16>
      }
      scf.yield %while3A_183#1, %while3A_183#2, %while3A_183#3, %while3A_183#4, %while3A_183#5, %while3A_183#6, %while3A_183#7, %while3A_183#8, %while3A_183#9, %while3A_183#10 : i32, i32, vector<32xbf16>, vector<32xbf16>, vector<32xbf16>, vector<32xbf16>, vector<32xbf16>, vector<32xbf16>, vector<32xbf16>, vector<32xbf16>
    }
    %bitcast3A = vector.bitcast %while3A_63#2 : vector<32xbf16> to vector<16xi32>
    %swap3A_64 = arith.index_cast %while3A_63#0 : i32 to index
    %swap3A_65 = arith.constant 0 : index
    %swap3A_66 = tpu.vector_load %arg13[%swap3A_64, %swap3A_65] {strides = array<i32>} : memref<320x128xi32, #tpu.memory_space<vmem>>, vector<16xi32>,
    tpu.vector_store %arg13[%swap3A_64, %swap3A_65], %bitcast3A {strides = array<i32>} : memref<320x128xi32, #tpu.memory_space<vmem>>, vector<16xi32>,
    %bitcast3A_67 = vector.bitcast %while3A_63#3 : vector<32xbf16> to vector<16xi32>
    %swap3A_68 = arith.index_cast %while3A_63#0 : i32 to index
    %swap3A_69 = arith.constant 16 : index
    %swap3A_70 = tpu.vector_load %arg13[%swap3A_68, %swap3A_69] {strides = array<i32>} : memref<320x128xi32, #tpu.memory_space<vmem>>, vector<16xi32>,
    tpu.vector_store %arg13[%swap3A_68, %swap3A_69], %bitcast3A_67 {strides = array<i32>} : memref<320x128xi32, #tpu.memory_space<vmem>>, vector<16xi32>,
    %bitcast3A_71 = vector.bitcast %while3A_63#4 : vector<32xbf16> to vector<16xi32>
    %swap3A_72 = arith.index_cast %while3A_63#0 : i32 to index
    %swap3A_73 = arith.constant 32 : index
    %swap3A_74 = tpu.vector_load %arg13[%swap3A_72, %swap3A_73] {strides = array<i32>} : memref<320x128xi32, #tpu.memory_space<vmem>>, vector<16xi32>,
    tpu.vector_store %arg13[%swap3A_72, %swap3A_73], %bitcast3A_71 {strides = array<i32>} : memref<320x128xi32, #tpu.memory_space<vmem>>, vector<16xi32>,
    %bitcast3A_75 = vector.bitcast %while3A_63#5 : vector<32xbf16> to vector<16xi32>
    %swap3A_76 = arith.index_cast %while3A_63#0 : i32 to index
    %swap3A_77 = arith.constant 48 : index
    %swap3A_78 = tpu.vector_load %arg13[%swap3A_76, %swap3A_77] {strides = array<i32>} : memref<320x128xi32, #tpu.memory_space<vmem>>, vector<16xi32>,
    tpu.vector_store %arg13[%swap3A_76, %swap3A_77], %bitcast3A_75 {strides = array<i32>} : memref<320x128xi32, #tpu.memory_space<vmem>>, vector<16xi32>,
    %bitcast3A_79 = vector.bitcast %while3A_63#6 : vector<32xbf16> to vector<16xi32>
    %swap3A_80 = arith.index_cast %while3A_63#0 : i32 to index
    %swap3A_81 = arith.constant 64 : index
    %swap3A_82 = tpu.vector_load %arg13[%swap3A_80, %swap3A_81] {strides = array<i32>} : memref<320x128xi32, #tpu.memory_space<vmem>>, vector<16xi32>,
    tpu.vector_store %arg13[%swap3A_80, %swap3A_81], %bitcast3A_79 {strides = array<i32>} : memref<320x128xi32, #tpu.memory_space<vmem>>, vector<16xi32>,
    %bitcast3A_83 = vector.bitcast %while3A_63#7 : vector<32xbf16> to vector<16xi32>
    %swap3A_84 = arith.index_cast %while3A_63#0 : i32 to index
    %swap3A_85 = arith.constant 80 : index
    %swap3A_86 = tpu.vector_load %arg13[%swap3A_84, %swap3A_85] {strides = array<i32>} : memref<320x128xi32, #tpu.memory_space<vmem>>, vector<16xi32>,
    tpu.vector_store %arg13[%swap3A_84, %swap3A_85], %bitcast3A_83 {strides = array<i32>} : memref<320x128xi32, #tpu.memory_space<vmem>>, vector<16xi32>,
    %bitcast3A_87 = vector.bitcast %while3A_63#8 : vector<32xbf16> to vector<16xi32>
    %swap3A_88 = arith.index_cast %while3A_63#0 : i32 to index
    %swap3A_89 = arith.constant 96 : index
    %swap3A_90 = tpu.vector_load %arg13[%swap3A_88, %swap3A_89] {strides = array<i32>} : memref<320x128xi32, #tpu.memory_space<vmem>>, vector<16xi32>,
    tpu.vector_store %arg13[%swap3A_88, %swap3A_89], %bitcast3A_87 {strides = array<i32>} : memref<320x128xi32, #tpu.memory_space<vmem>>, vector<16xi32>,
    %bitcast3A_91 = vector.bitcast %while3A_63#9 : vector<32xbf16> to vector<16xi32>
    %swap3A_92 = arith.index_cast %while3A_63#0 : i32 to index
    %swap3A_93 = arith.constant 112 : index
    %swap3A_94 = tpu.vector_load %arg13[%swap3A_92, %swap3A_93] {strides = array<i32>} : memref<320x128xi32, #tpu.memory_space<vmem>>, vector<16xi32>,
    tpu.vector_store %arg13[%swap3A_92, %swap3A_93], %bitcast3A_91 {strides = array<i32>} : memref<320x128xi32, #tpu.memory_space<vmem>>, vector<16xi32>,
    %add3A_95 = arith.constant 1 : i32
    %add3A_96 = arith.addi %while3A_63#0, %add3A_95 : i32
    %while3A_97 = arith.constant 320 : i32
    %while3A_98 = arith.constant 0 : i32
    %while3A_99 = arith.subi %while3A_97, %add3A_96 : i32
    %while3A_100 = arith.addi %add3A_96, %while3A_99 : i32
    %while3A_101 = arith.constant 1 : i32
    %while3A_102 = arith.divsi %while3A_99, %while3A_101 : i32
    %while3A_103 = arith.muli %while3A_102, %while3A_101 : i32
    %while3A_104 = arith.addi %add3A_96, %while3A_103 : i32
    %while3A_105 = arith.constant 1 : i32
    %while3A_106 = scf.for %while3A_109 = %add3A_96 to %while3A_104 step %while3A_105 iter_args(%while3A_110 = %while3A_98) -> (i32)  : i32 {
      %bitcast3A_111 = vector.bitcast %broadcast_in_dim3A_29 : vector<32xbf16> to vector<16xi32>
      %swap3A_112 = arith.index_cast %while3A_109 : i32 to index
      %swap3A_113 = arith.constant 0 : index
      %swap3A_114 = tpu.vector_load %arg13[%swap3A_112, %swap3A_113] {strides = array<i32>} : memref<320x128xi32, #tpu.memory_space<vmem>>, vector<16xi32>,
      tpu.vector_store %arg13[%swap3A_112, %swap3A_113], %bitcast3A_111 {strides = array<i32>} : memref<320x128xi32, #tpu.memory_space<vmem>>, vector<16xi32>,
      %bitcast3A_115 = vector.bitcast %broadcast_in_dim3A_29 : vector<32xbf16> to vector<16xi32>
      %swap3A_116 = arith.index_cast %while3A_109 : i32 to index
      %swap3A_117 = arith.constant 16 : index
      %swap3A_118 = tpu.vector_load %arg13[%swap3A_116, %swap3A_117] {strides = array<i32>} : memref<320x128xi32, #tpu.memory_space<vmem>>, vector<16xi32>,
      tpu.vector_store %arg13[%swap3A_116, %swap3A_117], %bitcast3A_115 {strides = array<i32>} : memref<320x128xi32, #tpu.memory_space<vmem>>, vector<16xi32>,
      %bitcast3A_119 = vector.bitcast %broadcast_in_dim3A_29 : vector<32xbf16> to vector<16xi32>
      %swap3A_120 = arith.index_cast %while3A_109 : i32 to index
      %swap3A_121 = arith.constant 32 : index
      %swap3A_122 = tpu.vector_load %arg13[%swap3A_120, %swap3A_121] {strides = array<i32>} : memref<320x128xi32, #tpu.memory_space<vmem>>, vector<16xi32>,
      tpu.vector_store %arg13[%swap3A_120, %swap3A_121], %bitcast3A_119 {strides = array<i32>} : memref<320x128xi32, #tpu.memory_space<vmem>>, vector<16xi32>,
      %bitcast3A_123 = vector.bitcast %broadcast_in_dim3A_29 : vector<32xbf16> to vector<16xi32>
      %swap3A_124 = arith.index_cast %while3A_109 : i32 to index
      %swap3A_125 = arith.constant 48 : index
      %swap3A_126 = tpu.vector_load %arg13[%swap3A_124, %swap3A_125] {strides = array<i32>} : memref<320x128xi32, #tpu.memory_space<vmem>>, vector<16xi32>,
      tpu.vector_store %arg13[%swap3A_124, %swap3A_125], %bitcast3A_123 {strides = array<i32>} : memref<320x128xi32, #tpu.memory_space<vmem>>, vector<16xi32>,
      %bitcast3A_127 = vector.bitcast %broadcast_in_dim3A_29 : vector<32xbf16> to vector<16xi32>
      %swap3A_128 = arith.index_cast %while3A_109 : i32 to index
      %swap3A_129 = arith.constant 64 : index
      %swap3A_130 = tpu.vector_load %arg13[%swap3A_128, %swap3A_129] {strides = array<i32>} : memref<320x128xi32, #tpu.memory_space<vmem>>, vector<16xi32>,
      tpu.vector_store %arg13[%swap3A_128, %swap3A_129], %bitcast3A_127 {strides = array<i32>} : memref<320x128xi32, #tpu.memory_space<vmem>>, vector<16xi32>,
      %bitcast3A_131 = vector.bitcast %broadcast_in_dim3A_29 : vector<32xbf16> to vector<16xi32>
      %swap3A_132 = arith.index_cast %while3A_109 : i32 to index
      %swap3A_133 = arith.constant 80 : index
      %swap3A_134 = tpu.vector_load %arg13[%swap3A_132, %swap3A_133] {strides = array<i32>} : memref<320x128xi32, #tpu.memory_space<vmem>>, vector<16xi32>,
      tpu.vector_store %arg13[%swap3A_132, %swap3A_133], %bitcast3A_131 {strides = array<i32>} : memref<320x128xi32, #tpu.memory_space<vmem>>, vector<16xi32>,
      %bitcast3A_135 = vector.bitcast %broadcast_in_dim3A_29 : vector<32xbf16> to vector<16xi32>
      %swap3A_136 = arith.index_cast %while3A_109 : i32 to index
      %swap3A_137 = arith.constant 96 : index
      %swap3A_138 = tpu.vector_load %arg13[%swap3A_136, %swap3A_137] {strides = array<i32>} : memref<320x128xi32, #tpu.memory_space<vmem>>, vector<16xi32>,
      tpu.vector_store %arg13[%swap3A_136, %swap3A_137], %bitcast3A_135 {strides = array<i32>} : memref<320x128xi32, #tpu.memory_space<vmem>>, vector<16xi32>,
      %bitcast3A_139 = vector.bitcast %broadcast_in_dim3A_29 : vector<32xbf16> to vector<16xi32>
      %swap3A_140 = arith.index_cast %while3A_109 : i32 to index
      %swap3A_141 = arith.constant 112 : index
      %swap3A_142 = tpu.vector_load %arg13[%swap3A_140, %swap3A_141] {strides = array<i32>} : memref<320x128xi32, #tpu.memory_space<vmem>>, vector<16xi32>,
      tpu.vector_store %arg13[%swap3A_140, %swap3A_141], %bitcast3A_139 {strides = array<i32>} : memref<320x128xi32, #tpu.memory_space<vmem>>, vector<16xi32>,
      %while3A_143 = arith.constant 0 : i32
      scf.yield %while3A_143 : i32
    }
    %while3A_107 = arith.constant 1 : i32
    %while3A_108 = scf.for %while3A_109 = %while3A_104 to %while3A_100 step %while3A_107 iter_args(%while3A_110 = %while3A_106) -> (i32)  : i32 {
      %bitcast3A_111 = vector.bitcast %broadcast_in_dim3A_29 : vector<32xbf16> to vector<16xi32>
      %swap3A_112 = arith.index_cast %while3A_109 : i32 to index
      %swap3A_113 = arith.constant 0 : index
      %swap3A_114 = tpu.vector_load %arg13[%swap3A_112, %swap3A_113] {strides = array<i32>} : memref<320x128xi32, #tpu.memory_space<vmem>>, vector<16xi32>,
      tpu.vector_store %arg13[%swap3A_112, %swap3A_113], %bitcast3A_111 {strides = array<i32>} : memref<320x128xi32, #tpu.memory_space<vmem>>, vector<16xi32>,
      %bitcast3A_115 = vector.bitcast %broadcast_in_dim3A_29 : vector<32xbf16> to vector<16xi32>
      %swap3A_116 = arith.index_cast %while3A_109 : i32 to index
      %swap3A_117 = arith.constant 16 : index
      %swap3A_118 = tpu.vector_load %arg13[%swap3A_116, %swap3A_117] {strides = array<i32>} : memref<320x128xi32, #tpu.memory_space<vmem>>, vector<16xi32>,
      tpu.vector_store %arg13[%swap3A_116, %swap3A_117], %bitcast3A_115 {strides = array<i32>} : memref<320x128xi32, #tpu.memory_space<vmem>>, vector<16xi32>,
      %bitcast3A_119 = vector.bitcast %broadcast_in_dim3A_29 : vector<32xbf16> to vector<16xi32>
      %swap3A_120 = arith.index_cast %while3A_109 : i32 to index
      %swap3A_121 = arith.constant 32 : index
      %swap3A_122 = tpu.vector_load %arg13[%swap3A_120, %swap3A_121] {strides = array<i32>} : memref<320x128xi32, #tpu.memory_space<vmem>>, vector<16xi32>,
      tpu.vector_store %arg13[%swap3A_120, %swap3A_121], %bitcast3A_119 {strides = array<i32>} : memref<320x128xi32, #tpu.memory_space<vmem>>, vector<16xi32>,
      %bitcast3A_123 = vector.bitcast %broadcast_in_dim3A_29 : vector<32xbf16> to vector<16xi32>
      %swap3A_124 = arith.index_cast %while3A_109 : i32 to index
      %swap3A_125 = arith.constant 48 : index
      %swap3A_126 = tpu.vector_load %arg13[%swap3A_124, %swap3A_125] {strides = array<i32>} : memref<320x128xi32, #tpu.memory_space<vmem>>, vector<16xi32>,
      tpu.vector_store %arg13[%swap3A_124, %swap3A_125], %bitcast3A_123 {strides = array<i32>} : memref<320x128xi32, #tpu.memory_space<vmem>>, vector<16xi32>,
      %bitcast3A_127 = vector.bitcast %broadcast_in_dim3A_29 : vector<32xbf16> to vector<16xi32>
      %swap3A_128 = arith.index_cast %while3A_109 : i32 to index
      %swap3A_129 = arith.constant 64 : index
      %swap3A_130 = tpu.vector_load %arg13[%swap3A_128, %swap3A_129] {strides = array<i32>} : memref<320x128xi32, #tpu.memory_space<vmem>>, vector<16xi32>,
      tpu.vector_store %arg13[%swap3A_128, %swap3A_129], %bitcast3A_127 {strides = array<i32>} : memref<320x128xi32, #tpu.memory_space<vmem>>, vector<16xi32>,
      %bitcast3A_131 = vector.bitcast %broadcast_in_dim3A_29 : vector<32xbf16> to vector<16xi32>
      %swap3A_132 = arith.index_cast %while3A_109 : i32 to index
      %swap3A_133 = arith.constant 80 : index
      %swap3A_134 = tpu.vector_load %arg13[%swap3A_132, %swap3A_133] {strides = array<i32>} : memref<320x128xi32, #tpu.memory_space<vmem>>, vector<16xi32>,
      tpu.vector_store %arg13[%swap3A_132, %swap3A_133], %bitcast3A_131 {strides = array<i32>} : memref<320x128xi32, #tpu.memory_space<vmem>>, vector<16xi32>,
      %bitcast3A_135 = vector.bitcast %broadcast_in_dim3A_29 : vector<32xbf16> to vector<16xi32>
      %swap3A_136 = arith.index_cast %while3A_109 : i32 to index
      %swap3A_137 = arith.constant 96 : index
      %swap3A_138 = tpu.vector_load %arg13[%swap3A_136, %swap3A_137] {strides = array<i32>} : memref<320x128xi32, #tpu.memory_space<vmem>>, vector<16xi32>,
      tpu.vector_store %arg13[%swap3A_136, %swap3A_137], %bitcast3A_135 {strides = array<i32>} : memref<320x128xi32, #tpu.memory_space<vmem>>, vector<16xi32>,
      %bitcast3A_139 = vector.bitcast %broadcast_in_dim3A_29 : vector<32xbf16> to vector<16xi32>
      %swap3A_140 = arith.index_cast %while3A_109 : i32 to index
      %swap3A_141 = arith.constant 112 : index
      %swap3A_142 = tpu.vector_load %arg13[%swap3A_140, %swap3A_141] {strides = array<i32>} : memref<320x128xi32, #tpu.memory_space<vmem>>, vector<16xi32>,
      tpu.vector_store %arg13[%swap3A_140, %swap3A_141], %bitcast3A_139 {strides = array<i32>} : memref<320x128xi32, #tpu.memory_space<vmem>>, vector<16xi32>,
      %while3A_143 = arith.constant 0 : i32
      scf.yield %while3A_143 : i32
    }
    "tpu.region"() ({
      %run_scoped3A = tpu.sem_alloc : memref<!tpu.dma_semaphore, #tpu.memory_space<semaphore_mem>>
      %dma_start3A = arith.constant 0 : i32
      %dma_start3A_109 = arith.constant 0 : i32
      %dma_start3A_110 = tpu.memref_slice %arg13[%dma_start3A, %dma_start3A_109] : memref<320x128xi32, #tpu.memory_space<vmem>> -> memref<320x128xi32, #tpu.memory_space<vmem>>
      %dma_start3A_111 = arith.constant 0 : i32
      %dma_start3A_112 = tpu.memref_slice %arg6[%multiple_of3A, %dma_start3A_111] : memref<10240x128xi32, #tpu.memory_space<hbm>> -> memref<320x128xi32, #tpu.memory_space<hbm>>
      %dma_start3A_113 = arith.constant 0 : i32
      %dma_start3A_114 = tpu.memref_slice %arg6[%multiple_of3A, %dma_start3A_113] : memref<10240x128xi32, #tpu.memory_space<hbm>> -> memref<320x128xi32, #tpu.memory_space<hbm>>
      %dma_start3A_115 = arith.constant 0 : i32
      %dma_start3A_116 = arith.constant 0 : i32
      %dma_start3A_117 = tpu.memref_slice %arg13[%dma_start3A_115, %dma_start3A_116] : memref<320x128xi32, #tpu.memory_space<vmem>> -> memref<320x128xi32, #tpu.memory_space<vmem>>
      tpu.enqueue_dma source(%dma_start3A_117 : memref<320x128xi32, #tpu.memory_space<vmem>>) target(%dma_start3A_114 : memref<320x128xi32, #tpu.memory_space<hbm>>) target_semaphore(%run_scoped3A : memref<!tpu.dma_semaphore, #tpu.memory_space<semaphore_mem>>)
      %dma_wait3A = arith.constant 0 : i32
      %dma_wait3A_118 = arith.constant 0 : i32
      %dma_wait3A_119 = tpu.memref_slice %arg13[%dma_wait3A, %dma_wait3A_118] : memref<320x128xi32, #tpu.memory_space<vmem>> -> memref<320x128xi32, #tpu.memory_space<vmem>>
      %dma_wait3A_120 = arith.constant 0 : i32
      %dma_wait3A_121 = tpu.memref_slice %arg6[%multiple_of3A, %dma_wait3A_120] : memref<10240x128xi32, #tpu.memory_space<hbm>> -> memref<320x128xi32, #tpu.memory_space<hbm>>
      %dma_wait3A_122 = arith.constant 0 : i32
      %dma_wait3A_123 = tpu.memref_slice %arg6[%multiple_of3A, %dma_wait3A_122] : memref<10240x128xi32, #tpu.memory_space<hbm>> -> memref<320x128xi32, #tpu.memory_space<hbm>>
      %dma_wait3A_124 = arith.constant 0 : i32
      %dma_wait3A_125 = arith.constant 0 : i32
      %dma_wait3A_126 = tpu.memref_slice %arg13[%dma_wait3A_124, %dma_wait3A_125] : memref<320x128xi32, #tpu.memory_space<vmem>> -> memref<320x128xi32, #tpu.memory_space<vmem>>
      tpu.wait_dma2 semaphore(%run_scoped3A : memref<!tpu.dma_semaphore, #tpu.memory_space<semaphore_mem>>) src(%dma_wait3A_126 : memref<320x128xi32, #tpu.memory_space<vmem>>) dst(%dma_wait3A_123 : memref<320x128xi32, #tpu.memory_space<hbm>>)
      tpu.yield
    }) : () -> ()
    return
  }
}

</mosaic_0001>

<sc_bundles>
// kernel: kernel.3.cloned.1.call-start
scs
__scs_entry_jumppad:
0x0: {  	(pc) =	sbr.rel $0x88, $3  }
0x1: {  	(tag) =	ssettag $0x0;
	lr =	simm.s32 $0x1  }
0x2: {  	[smem:$0x3F9E] =	sst lr;
	_ =	strace $0xD0000000  }
0x3: {  	_ = 	snop  }
0x4: {  	_ = 	snop  }
0x5: {  	_ = 	snop  }
0x6: {  	_ = 	snop  }
0x7: {  	_ = 	snop  }
__scs_overlays_trampoline_lowered:
0x8: {  	[smem:$0x3FAD] =	sst s0  }
0x9: {  	[smem:$0x3FAE] =	sst s1  }
0xa: {  	[smem:$0x3FAF] =	sst s2  }
0xb: {  	[smem:$0x3FB0] =	sst s3  }
0xc: {  	[smem:$0x3FB1] =	sst s4  }
0xd: {  	[smem:$0x3FB2] =	sst s5  }
0xe: {  	[smem:$0x3FB3] =	sst s6  }
0xf: {  	[smem:$0x3FB4] =	sst s7  }
0x10: {  	[smem:$0x3FB5] =	sst s8  }
0x11: {  	[smem:$0x3FB6] =	sst s9;
	s0 =	simm.s32 @!p0 $0x0  }
0x12: {  	s1 =	sld [smem:$0x3F9C];
	s0 =	simm.s32 @p0 $0x1  }
0x13: {  	[smem:$0x3FB7] =	sst s0;
	s0 =	simm.s32 @!p1 $0x0  }
0x14: {  	s2 =	sld [smem:$0x3F9B];
	s0 =	simm.s32 @p1 $0x1  }
0x15: {  	[smem:$0x3FB8] =	sst s0;
	s0 =	simm.s32 @!p2 $0x0  }
0x16: {  	s3 =	sld [smem:$0x3FDB];
	s0 =	simm.s32 @p2 $0x1  }
0x17: {  	s4 =	simm.s32 $0x1BF5;
	[smem:$0x3FBA] =	sst s0  }
0x18: {  	s0 =	sld [smem:$0x3F9D];
	_ =	swait.ge [sflag:s4], $0x0  }
0x19: {  	s7 =	sld [smem:$0x3F9E]  }
0x1a: {  	s8 =	sadd.s32 $0xFFFFE003, lr  }
0x1b: {  	s9 =	sadd.s32 $0xFFFFFEF7, lr;
	s5 =	simm.s32 $0xFFFFFFFF;
	p2 =	slt.u32 s8, $0xFFFFF086  }
0x1c: {  	p1 =	slt.u32 s9, $0xF7A;
	s5 =	simm.s32 @!p2 $0x0  }
0x1d: {  	s5 =	simm.s32 @p1 $0x1;
	p0 =	seq.s32 s7, s2  }
0x1e: {  	s7 =	smul.u32 @!p0 $0xF7A, s2;
	p2 =	seq.s32 @!p0 s5, $0x0  }
0x1f: {  	s9 =	smul.u32 $0xF7A, s1;
	s8 =	simm.s32 @!p0 $0x1BF5;
	p2 =	por !p2, p0  }
0x20: {  	[sflag:s8] =	ssyncset.s32 @!p0 $0xFFFFF086;
	s6 =	sadd.s32 @!p0 s3, s7;
	s7 =	simm.s32 @!p0 $0x108  }
0x21: {  	s3 =	sadd.s32 s3, s9;
	s6 =	sadd.s32 @!p0 $0x88, s6;
	s7 =	simm.s32 @p2 $0x1082  }
0x22: {  	[simem:s7], [sflag:s8] =	dma.local @!p0 [hbm:s6], $0xF7A  }
0x23: {  	s9 =	sor.u32 $0xD0000000, s2;
	s6 =	simm.s32 $0x108;
	_ =	swait.ge @!p0 [sflag:s8], $0x0  }
0x24: {  	s3 =	sadd.s32 $0x88, s3;
	s6 =	simm.s32 @!p1 $0x1082;
	[sflag:s4] =	ssyncset.s32 $0xFFFFF086  }
0x25: {  	[simem:s6], [sflag:s4] =	dma.local [hbm:s3], $0xF7A  }
0x26: {  	[smem:$0x3F9E] =	sst s1;
	(tag) =	ssettag s2;
	_ =	strace s9  }
0x27: {  	s1 =	sld [smem:$0x3FAE]  }
0x28: {  	s2 =	sld [smem:$0x3FAF]  }
0x29: {  	s4 =	sld [smem:$0x3FB1]  }
0x2a: {  	p0 =	seq.s32 s5, $0x0;
	s5 =	sld [smem:$0x3FB2]  }
0x2b: {  	s6 =	sld [smem:$0x3FB3]  }
0x2c: {  	s7 =	sld [smem:$0x3FB4]  }
0x2d: {  	s3 =	simm.s32 $0x108;
	s8 =	sld [smem:$0x3FB5]  }
0x2e: {  	s3 =	simm.s32 @!p0 $0x1082;
	s9 =	sld [smem:$0x3FB6]  }
0x2f: {  	lr =	sadd.s32 s0, s3;
	s0 =	sld [smem:$0x3FAD]  }
0x30: {  	s3 =	sld [smem:$0x3FB0]  }
0x31: {  	[smem:$0x3FB9] =	sst s10  }
0x32: {  	s10 =	sld [smem:$0x3FB7];
	_ =	sdelay $0x3  }
0x33: {  	p0 =	seq.s32 s10, $0x1;
	s10 =	sld [smem:$0x3FB9];
	_ =	sdelay $0x3  }
0x34: {  	[smem:$0x3FB9] =	sst s10  }
0x35: {  	s10 =	sld [smem:$0x3FB8];
	_ =	sdelay $0x3  }
0x36: {  	p1 =	seq.s32 s10, $0x1;
	s10 =	sld [smem:$0x3FB9];
	_ =	sdelay $0x3  }
0x37: {  	[smem:$0x3FB9] =	sst s10  }
0x38: {  	s10 =	sld [smem:$0x3FBA]  }
0x39: {  	_ = 	snop;
	(pc) =	sbr.ind lr, $3  }
0x3a: {  	_ = 	snop  }
0x3b: {  	_ = 	snop  }
0x3c: {  	p2 =	seq.s32 s10, $0x1;
	s10 =	sld [smem:$0x3FB9]  }
0x3d: {  	_ =	shalt  }
0x3e: {  	_ =	shalt  }
0x3f: {  	_ =	shalt  }
0x40: {  	_ =	shalt  }
0x41: {  	_ =	shalt  }
0x42: {  	_ =	shalt  }
0x43: {  	_ =	shalt  }
0x44: {  	_ =	shalt  }
0x45: {  	_ =	shalt  }
0x46: {  	_ =	shalt  }
0x47: {  	_ =	shalt  }
0x48: {  	_ =	shalt  }
0x49: {  	_ =	shalt  }
0x4a: {  	_ =	shalt  }
0x4b: {  	_ =	shalt  }
0x4c: {  	_ =	shalt  }
0x4d: {  	_ =	shalt  }
0x4e: {  	_ =	shalt  }
0x4f: {  	_ =	shalt  }
0x50: {  	_ =	shalt  }
0x51: {  	_ =	shalt  }
0x52: {  	_ =	shalt  }
0x53: {  	_ =	shalt  }
0x54: {  	_ =	shalt  }
0x55: {  	_ =	shalt  }
0x56: {  	_ =	shalt  }
0x57: {  	_ =	shalt  }
0x58: {  	_ =	shalt  }
0x59: {  	_ =	shalt  }
0x5a: {  	_ =	shalt  }
0x5b: {  	_ =	shalt  }
0x5c: {  	_ =	shalt  }
0x5d: {  	_ =	shalt  }
0x5e: {  	_ =	shalt  }
0x5f: {  	_ =	shalt  }
0x60: {  	_ =	shalt  }
0x61: {  	_ =	shalt  }
0x62: {  	_ =	shalt  }
0x63: {  	_ =	shalt  }
0x64: {  	_ =	shalt  }
0x65: {  	_ =	shalt  }
0x66: {  	_ =	shalt  }
0x67: {  	_ =	shalt  }
0x68: {  	_ =	shalt  }
0x69: {  	_ =	shalt  }
0x6a: {  	_ =	shalt  }
0x6b: {  	_ =	shalt  }
0x6c: {  	_ =	shalt  }
0x6d: {  	_ =	shalt  }
0x6e: {  	_ =	shalt  }
0x6f: {  	_ =	shalt  }
0x70: {  	_ =	shalt  }
0x71: {  	_ =	shalt  }
0x72: {  	_ =	shalt  }
0x73: {  	_ =	shalt  }
0x74: {  	_ =	shalt  }
0x75: {  	_ =	shalt  }
0x76: {  	_ =	shalt  }
0x77: {  	_ =	shalt  }
0x78: {  	_ =	shalt  }
0x79: {  	_ =	shalt  }
0x7a: {  	_ =	shalt  }
0x7b: {  	_ =	shalt  }
0x7c: {  	_ =	shalt  }
0x7d: {  	_ =	shalt  }
0x7e: {  	_ =	shalt  }
0x7f: {  	_ =	shalt  }
0x80: {  	_ =	shalt  }
0x81: {  	_ =	shalt  }
0x82: {  	_ =	shalt  }
0x83: {  	_ =	shalt  }
0x84: {  	_ =	shalt  }
0x85: {  	_ =	shalt  }
0x86: {  	_ =	shalt  }
0x87: {  	_ =	shalt  }
.Lfunc_end0:
.L_simem_size_0:
called_computation_lowered:
.L_overlay_start_0:
0x88: {  	s2 =	sld [smem:$0x3FD9]  }
0x89: {  	s3 =	sld [smem:$0x3FFE];
	_ =	sdelay $0x1  }
0x8a: {  	s1 =	srdreg.scid  }
0x8b: {  	s0 =	sand.u32 $0x1, s1  }
0x8c: {  	s17 =	sshll.u32 s0, $0xA;
	s2 =	sadd.s32 s3, s2  }
0x8d: {  	s2 =	sadd.s32 s2, s17  }
0x8e: {  	[smem:$0x3FC5] =	sst s2  }
0x8f: {  	_ = 	snop  }
0x90: {  	s2 =	sld [smem:$0x3FC9]  }
0x91: {  	s18 =	sld [smem:$0x3FC8]  }
0x92: {  	s4 =	sld [smem:$0x3FD0];
	(tm) =	ssettm $0x1  }
0x93: {  	s5 =	sld [smem:$0x3FFB];
	_ =	sdelay $0x3  }
0x94: {  	_ =	strace s5  }
0x95: {  	s5 =	sld [smem:$0x3FFC];
	_ =	sdelay $0x3  }
0x96: {  	_ =	strace s5  }
0x97: {  	s5 =	sld [smem:$0x3FFD];
	_ =	sdelay $0x3  }
0x98: {  	_ =	strace s5  }
0x99: {  	_ =	strace $0x8FFFFFFF  }
0x9a: {  	s19 =	sld [smem:$0x3FDB];
	_ =	sdelay $0x1  }
0x9b: {  	s6 =	simm.s32 $_scs_section_size  }
0x9c: {  	s7 =	simm.s32 $_size__tile_overlayer_lowered;
	s8 =	simm.s32 $_tile_overlayer_lowered  }
0x9d: {  	s22 =	simm.s32 $0x1BFF;
	s21 =	sshll.u32 s8, $0x1;
	s5 =	sadd.s32 s6, s19  }
0x9e: {  	s9 =	simm.s32 $0x0;
	s20 =	sshll.u32 s7, $0x1;
	s7 =	sadd.s32 s21, s5  }
0x9f: {  	[timem:s9], [sflag:s22] =	dma.local [hbm:s7], s20  }
0xa0: {  	_ =	swait.ge [sflag:s22], s20  }
0xa1: {  	s6 =	ssub.s32 $0x0, s20;
	[sflag:s22] =	ssyncset.done $0x0  }
0xa2: {  	[sflag:s22] =	ssyncadd.s32 s6;
	_ =	sdelay $0x1  }
0xa3: {  	s23 =	simm.s32 $0x1B8B  }
0xa4: {  	_ =	swait.ge [sflag:s23], $0x1  }
0xa5: {  	[sflag:s23] =	ssyncset.done $0x0  }
0xa6: {  	s25 =	simm.s32 $0x1B8E;
	s24 =	sld [smem:$0x3FFE];
	[sflag:s23] =	ssyncadd.s32 $0xFFFFFFFF  }
0xa7: {  	s26 =	simm.s32 $execute0_lowered;
	[smem:$0x3FD2] =	sst s25  }
0xa8: {  	s7 =	sshll.u32 s26, $0x1;
	_ =	strace $0x80000046;
	[dreg:$0x1] =	wrdreg $0xFFFFFFFF  }
0xa9: {  	s28 =	simm.s32 $_size_execute0_lowered;
	s5 =	sadd.s32 s5, s7;
	[dreg:$0x0] =	wrdreg $0x0  }
0xaa: {  	s7 =	sshll.u32 s28, $0x1;
	[dreg:$0x2] =	wrdreg s5  }
0xab: {  	[dreg:$0x3] =	wrdreg s7  }
0xac: {  	[dreg:$0x4] =	wrdreg $0xC0  }
0xad: {  	_ =	task [dreg:s9], $0x5FFFF  }
0xae: {  	[dreg:$0x1] =	wrdreg $0xFFFFFFFF  }
0xaf: {  	[dreg:$0x0] =	wrdreg $0x60  }
0xb0: {  	[dreg:$0x2] =	wrdreg s2  }
0xb1: {  	[dreg:$0x3] =	wrdreg s24  }
0xb2: {  	[dreg:$0x4] =	wrdreg s18  }
0xb3: {  	[dreg:$0x5] =	wrdreg s4  }
0xb4: {  	[dreg:$0x6] =	wrdreg $0x9  }
0xb5: {  	_ =	task.clear_ibuf [dreg:s9], $0x7FFFF;
	_ =	strace $0x90000046  }
0xb6: {  	s29 =	simm.s32 $0x9;
	_ =	strace $0x80000048  }
0xb7: {  	_ =	swait.ge [sflag:s29], $0x1  }
0xb8: {  	[sflag:s29] =	ssyncadd.s32 $0xFFFFFFFF  }
0xb9: {  	_ =	strace $0x90000048  }
0xba: {  	_ =	sfence  }
0xbb: {  	s30 =	sld [smem:$0x0];
	_ =	sdelay $0x2  }
0xbc: {  	s31 =	sshll.u32 s1, $0xD;
	s1 =	sshrl.u32 s1, $0x2  }
0xbd: {  	s3 =	sand.u32 $0x4000, s31;
	s1 =	sadd.s32 s1, s30  }
0xbe: {  	s0 =	sor.u32 s3, s0;
	s1 =	sshll.u32 s1, $0x11  }
0xbf: {  	s0 =	sor.u32 s1, s0  }
0xc0: {  	s0 =	sadd.s32 $0x8F2B, s0  }
0xc1: {  	[sflag:s0] =	ssyncadd.remote.s32 $0x1  }
0xc2: {  	_ =	sfence.sel $0xFFFF  }
0xc3: {  	[dreg:$0x0] =	wrdreg $0xFFFFFFFF;
	(pc) =	sbr.abs _section_cstart, $3  }
0xc4: {  	[dreg:$0x1] =	wrdreg $0xFFFFFFFF  }
0xc5: {  	_ =	task.clear_ibuf [dreg:s9], $0x2FFFF;
	_ =	strace $0x9FFFFFFF  }
0xc6: {  	(tm) =	ssettm $0x7FFFFFFF  }
0xc7: {  	_ =	shalt  }
tec
execute0_lowered:
.L_overlay_start_1:
0x0: {  	(tag) =	ssettag $0x1  }
0x1: {  	s0 =	rddreg [dreg:$0x0]  }
0x2: {  	s1 =	rddreg [dreg:$0x1]  }
0x3: {  	s2 =	rddreg [dreg:$0x2]  }
0x4: {  	s4 =	rddreg [dreg:$0x3]  }
0x5: {  	s5 =	srdreg.scid;
	s6 =	stileid.u32  }
0x6: {  	s3 =	simm.s32 $0x0;
	s11 =	simm.s32 $0x7;
	s20 =	simm.s32 $0x0  }
0x7: {  	s5 =	sand.u32 $0x1, s5;
	s6 =	sshll.u32 s6, $0x1;
	[smem:$0x7FF] =	sst s3  }
0x8: {  	s25 =	sadd.s32 $0x27800, s1;
	s7 =	ssub.s32 $0x2, s5;
	s6 =	sor.u32 s5, s6  }
0x9: {  	_ =	strace $0x80000047;
	s8 =	sshrl.u32 s7, $0x1;
	s9 =	smul.u32 $0x140, s6  }
0xa: {  	[dreg:$0x5] =	wrdreg s25;
	s10 =	smul.u32 $0x1400, s6;
	s26 =	ssub.s32 s7, s8  }
.Ltmp0:
0xb: {  	s28 =	smin.u32 s9, $0x25A8;
	s29 =	ssub.s32 $0x2710, s9;
	(pc) =	sbr.rel .LBB2_1-.Ltmp0, $4  }
0xc: {  	s31 =	sadd.s32 s4, s10;
	s6 =	ssub.s32 s9, s28;
	s7 =	sshrl.u32 s28, $0x3  }
0xd: {  	s8 =	smin.u32 s29, $0x140;
	[dreg:$0x8] =	wrdreg s31;
	s0 =	sadd.s32 s0, s7  }
0xe: {  	s5 =	sadd.s32 $0x600, s1;
	s30 =	sadd.s32 s6, s8;
	[dreg:$0x6] =	wrdreg s0  }
0xf: {  	v0 =	vimm.s32 $0xFF80FF80;
	s10 =	smax.u32 s26, $0x1;
	p0 =	sgt.s32 s6, $0x0;
	v1 =	vmov s6;
	[dreg:$0x7] =	wrdreg s30  }
.LBB2_29:
0x10: {  	[tilespmem:s0+$0xFFFFFFA0] =	vst v0  }
.LBB2_30:
0x11: {  	s20 =	sadd.s32 $0x1, s20  }
0x12: {  	p1 =	sne.s32 s20, s10  }
.Ltmp1:
0x13: {  	s0 =	rddreg [dreg:$0x8];
	s1 =	simm.s32 $0x8300;
	(pc) =	sbr.rel @!p1 .LBB2_31-.Ltmp1, $4  }
0x14: {  	[hbm4b:s0+s3] =	stream.linear.scatter [tilespmem:s1], [sflag:$0x7], $0xA000, $0x38;
	[tilespmem:$0x12300] =	vst v63  }
0x15: {  	_ =	swait.ge [sflag:s11], $0xA000  }
0x16: {  	[sflag:s11] =	ssyncset.done $0x0  }
0x17: {  	[sflag:s11] =	ssyncadd.s32 $0xFFFF6000  }
.LBB2_1:
0x18: {  	s0 =	rddreg [dreg:$0x6]  }
0x19: {  	[tilespmem:s3], [sflag:$0x7] =	stream.linear.gather [hbm4b:s0+s3], $0x168, $0x38;
	[tilespmem:$0x12300] =	vst v63  }
0x1a: {  	_ =	swait.ge [sflag:s11], $0x168  }
0x1b: {  	[sflag:s11] =	ssyncset.done $0x0  }
0x1c: {  	s1 =	simm.s32 $0x180;
	s30 =	rddreg [dreg:$0x5];
	[sflag:s11] =	ssyncadd.s32 $0xFFFFFE98  }
0x1d: {  	[tilespmem:s1], [sflag:$0x7] =	stream.linear.gather [hbm4b:s30+s3], $0x80, $0x38;
	[tilespmem:$0x12300] =	vst v63  }
0x1e: {  	_ =	swait.ge [sflag:s11], $0x80  }
0x1f: {  	[sflag:s11] =	ssyncset.done $0x0  }
0x20: {  	[sflag:s11] =	ssyncadd.s32 $0xFFFFFF80  }
0x21: {  	v2 =	vld [tilespmem:s6+$0x0]  }
0x22: {  	v3 =	vld [tilespmem:$0x180]  }
0x23: {  	v4 =	vld [tilespmem:$0x140];
	_ =	sdelay $0x2  }
0x24: {  	(v2sf) =	vpush v2, $0x0  }
0x25: {  	(v2sf) =	vpush v3, $0x0  }
0x26: {  	(v2sf) =	vpush v4, $0x0;
	_ =	sdelay $0xc  }
0x27: {  	s21 =	spop (v2sf)  }
0x28: {  	s0 =	spop (v2sf)  }
0x29: {  	s22 =	spop (v2sf)  }
0x2a: {  	s22 =	smov.u32 @p0 s0  }
0x2b: {  	s31 =	rddreg [dreg:$0x7];
	v2 =	vmov s22  }
0x2c: {  	[tilespmem:s31+$0x0] =	vst v2  }
0x2d: {  	v2 =	vld [tilespmem:s6+$0x1];
	_ =	sdelay $0x4  }
0x2e: {  	(v2sf) =	vpush v2, $0x0;
	_ =	sdelay $0x6  }
0x2f: {  	s23 =	sand.u32 $0xFFFFFFF8, s21  }
0x30: {  	s24 =	ssub.s32 s22, s23  }
0x31: {  	s0 =	sadd.s32 $0x7F, s24  }
0x32: {  	p1 =	slt.s32 s0, $0x80  }
.Ltmp2:
0x33: {  	_ = 	snop;
	(pc) =	sbr.rel @p1 .LBB2_26-.Ltmp2, $4  }
0x34: {  	_ = 	snop  }
0x35: {  	v9 =	vimm.bf16 $-Inf;
	v5 =	vimm.bf16 $-Inf  }
0x36: {  	v7 =	vimm.bf16 $-Inf;
	v8 =	vimm.bf16 $-Inf;
	v6 =	vimm.bf16 $-Inf  }
0x37: {  	s25 =	simm.s32 $0x0;
	v3 =	vimm.bf16 $-Inf;
	v4 =	vimm.bf16 $-Inf;
	v2 =	vimm.bf16 $-Inf;
	s13 =	spop (v2sf)  }
0x38: {  	p1 =	slt.s32 s23, $0x27080;
	s1 =	smov.u32 s23;
	s4 =	simm.s32 $0x200  }
0x39: {  	s12 =	simm.s32 $0x5;
	s14 =	simm.s32 $0x40;
	s1 =	simm.s32 @!p1 $0x27080  }
0x3a: {  	s7 =	simm.s32 $0x300;
	s15 =	simm.s32 $0x240;
	s1 =	sshrl.u32 s1, $0x3  }
0x3b: {  	s16 =	simm.s32 $0x2300;
	p1 =	slt.u32 s0, $0x100;
	s1 =	sadd.s32 s2, s1  }
0x3c: {  	[tilespmem:s4], [sflag:$0x5] =	stream.linear.gather [hbm4b:s1+s3], $0x80, $0x38;
	[tilespmem:$0x12300] =	vst v63  }
0x3d: {  	s17 =	sshra.s32 s0, $0x1F;
	s1 =	sadd.s32 @!p1 $0x80, s23;
	_ =	swait.ge [sflag:s12], $0x80  }
0x3e: {  	s25 =	ssub.s32 s22, s23;
	p2 =	slt.s32 @!p1 s1, $0x27080;
	[sflag:s12] =	ssyncset.done $0x0  }
0x3f: {  	s28 =	ssub.s32 $0x0, s23;
	p2 =	por !p2, p1;
	[sflag:s12] =	ssyncadd.s32 $0xFFFFFF80  }
0x40: {  	[tilespmem:s7], [sflag:$0x1] =	stream.indirect.gather [hbm4b:s5+s14], $0x80, s4, s14, $0xb8;
	[tilespmem:$0x12300] =	vst v63  }
0x41: {  	s30 =	ssub.s32 $0xFFFFFF80, s23;
	s1 =	simm.s32 @p2 $0x27080;
	s4 =	sshrl.u32 s17, $0x19  }
0x42: {  	s29 =	sadd.s32 $0xFFFFFF80, s25;
	s18 =	sadd.s32 s4, s0;
	s0 =	sshrl.u32 @!p1 s1, $0x3  }
0x43: {  	[tilespmem:s16], [sflag:$0x2] =	stream.indirect.gather [hbm4b:s5+s14], $0x80, s15, s14, $0xb8;
	[tilespmem:$0x12300] =	vst v63  }
.Ltmp3:
0x44: {  	s1 =	simm.s32 @!p1 $0x0;
	s26 =	sshra.s32 s18, $0x7;
	(pc) =	sbr.rel .LBB2_3-.Ltmp3, $4  }
0x45: {  	s4 =	simm.s32 @!p1 $0x280;
	s0 =	sadd.s32 @!p1 s2, s0;
	s19 =	sadd.s32 $0x1, s26  }
0x46: {  	v2 =	vimm.bf16 $-Inf;
	v6 =	vimm.bf16 $-Inf;
	[tilespmem:s4], [sflag:$0x6] =	stream.linear.gather @!p1 [hbm4b:s0+s1], $0x80, $0x38;
	[tilespmem:$0x12300] =	vst v63  }
0x47: {  	v8 =	vimm.bf16 $-Inf;
	v7 =	vimm.bf16 $-Inf;
	v3 =	vimm.bf16 $-Inf;
	s25 =	simm.s32 $0x0;
	s16 =	simm.s32 $0x0;
	s0 =	sshrl.u32 s19, $0x1  }
0x48: {  	v4 =	vimm.bf16 $-Inf;
	v5 =	vimm.bf16 $-Inf;
	v9 =	vimm.bf16 $-Inf;
	s4 =	sadd.s32 $0xFFFD8F80, s23;
	s1 =	sadd.s32 $0xFFFD9000, s23;
	s31 =	smax.u32 s0, $0x1  }
.LBB2_15:
0x49: {  	s13 =	smov.u32 s17  }
.LBB2_25:
0x4a: {  	s16 =	sadd.s32 $0x1, s16  }
0x4b: {  	p1 =	sne.s32 s16, s31  }
.Ltmp4:
0x4c: {  	_ = 	snop;
	(pc) =	sbr.rel @!p1 .LBB2_26-.Ltmp4, $3  }
0x4d: {  	_ =	sdelay $0x1  }
0x4e: {  	s24 =	sadd.s32 $0xFFFFFF00, s24;
	s28 =	sadd.s32 $0xFFFFFF00, s28;
	s29 =	sadd.s32 $0xFFFFFF00, s29  }
0x4f: {  	s30 =	sadd.s32 $0xFFFFFF00, s30;
	s4 =	sadd.s32 $0x100, s4;
	s1 =	sadd.s32 $0x100, s1  }
.LBB2_3:
0x50: {  	s18 =	sshllo.u32 s16, $0x1  }
0x51: {  	p1 =	sge.s32 s18, s26  }
0x52: {  	s0 =	simm.s32 @!p1 $0x6  }
0x53: {  	_ =	swait.ge @!p1 [sflag:s0], $0x80  }
0x54: {  	s7 =	simm.s32 @!p1 $0x280;
	[sflag:s0] =	ssyncset.done @!p1 $0x0  }
0x55: {  	s8 =	simm.s32 @!p1 $0x4300;
	[sflag:s0] =	ssyncadd.s32 @!p1 $0xFFFFFF80;
	s0 =	simm.s32 @!p1 $0x40  }
0x56: {  	[tilespmem:s8], [sflag:$0x3] =	stream.indirect.gather @!p1 [hbm4b:s5+s0], $0x80, s7, s0, $0xb8;
	[tilespmem:$0x12300] =	vst v63  }
0x57: {  	s12 =	sshll.u32 s16, $0x1;
	s7 =	simm.s32 @!p1 $0x2C0;
	s8 =	simm.s32 @!p1 $0x6300  }
0x58: {  	[tilespmem:s8], [sflag:$0x4] =	stream.indirect.gather @!p1 [hbm4b:s5+s0], $0x80, s7, s0, $0xb8;
	[tilespmem:$0x12300] =	vst v63  }
0x59: {  	p3 =	sge.s32 s12, s26;
	s0 =	sadd.s32 $0x2, s12  }
0x5a: {  	s7 =	simm.s32 @!p3 $0x1;
	p2 =	sge.s32 s0, s26  }
0x5b: {  	s19 =	sshll.u32 s16, $0x8;
	_ =	swait.ge @!p3 [sflag:s7], $0x2000;
	s0 =	sshll.u32 @!p2 s0, $0x7  }
0x5c: {  	s19 =	sadd.s32 s23, s19;
	[sflag:s7] =	ssyncset.done @!p3 $0x0;
	s0 =	sadd.s32 @!p2 s23, s0  }
0x5d: {  	[sflag:s7] =	ssyncadd.s32 @!p3 $0xFFFFE000;
	s7 =	simm.s32 @!p3 $0x2;
	p4 =	slt.s32 @!p2 s0, $0x27080  }
0x5e: {  	s14 =	ssub.s32 s22, s19;
	_ =	swait.ge @!p3 [sflag:s7], $0x2000;
	p4 =	por !p4, p2  }
0x5f: {  	s8 =	ssub.s32 s21, s19;
	[sflag:s7] =	ssyncset.done @!p3 $0x0;
	s0 =	simm.s32 @p4 $0x27080  }
0x60: {  	[sflag:s7] =	ssyncadd.s32 @!p3 $0xFFFFE000;
	p3 =	sgt.s32 s8, $0x0;
	p4 =	slt.s32 s14, $0x80  }
0x61: {  	s8 =	simm.s32 @!p3 $0x0;
	s14 =	simm.s32 @!p4 $0x80  }
0x62: {  	p3 =	sge.s32 s8, s14  }
.Ltmp5:
0x63: {  	_ = 	snop;
	(pc) =	sbr.rel @p3 .LBB2_4-.Ltmp5, $4  }
0x64: {  	_ = 	snop  }
0x65: {  	s0 =	sshrl.u32 @!p2 s0, $0x3  }
0x66: {  	s15 =	simm.s32 @!p2 $0x200;
	s7 =	simm.s32 @!p2 $0x0;
	s0 =	sadd.s32 @!p2 s2, s0  }
0x67: {  	[tilespmem:s15], [sflag:$0x5] =	stream.linear.gather @!p2 [hbm4b:s0+s7], $0x80, $0x38;
	[tilespmem:$0x12300] =	vst v63  }
.Ltmp6:
0x68: {  	(pc) =	sbr.rel .LBB2_6-.Ltmp6, $3  }
0x69: {  	_ =	sdelay $0x1  }
0x6a: {  	p3 =	sgt.s32 s4, $0x0;
	s0 =	smov.u32 s4  }
0x6b: {  	s0 =	simm.s32 @!p3 $0x0  }
.LBB2_4:
0x6c: {  	s17 =	smov.u32 s13  }
.LBB2_14:
0x6d: {  	s0 =	simm.s32 @!p2 $0x5  }
0x6e: {  	_ =	swait.ge @!p2 [sflag:s0], $0x80  }
0x6f: {  	[sflag:s0] =	ssyncset.done @!p2 $0x0  }
0x70: {  	s7 =	simm.s32 @!p2 $0x300;
	[sflag:s0] =	ssyncadd.s32 @!p2 $0xFFFFFF80;
	s0 =	simm.s32 @!p2 $0x40  }
0x71: {  	[tilespmem:s7], [sflag:$0x1] =	stream.indirect.gather @!p2 [hbm4b:s5+s0], $0x80, s15, s0, $0xb8;
	[tilespmem:$0x12300] =	vst v63  }
0x72: {  	s8 =	simm.s32 @!p2 $0x2300;
	s7 =	simm.s32 @!p2 $0x240  }
0x73: {  	[tilespmem:s8], [sflag:$0x2] =	stream.indirect.gather @!p2 [hbm4b:s5+s0], $0x80, s7, s0, $0xb8;
	[tilespmem:$0x12300] =	vst v63  }
0x74: {  	s0 =	sadd.s32 $0x3, s12  }
0x75: {  	p2 =	sge.s32 s0, s26  }
0x76: {  	s7 =	simm.s32 @!p1 $0x3;
	s0 =	sshll.u32 @!p2 s0, $0x7  }
0x77: {  	_ =	swait.ge @!p1 [sflag:s7], $0x2000;
	s0 =	sadd.s32 @!p2 s23, s0  }
0x78: {  	s19 =	sshll.u32 s18, $0x7;
	[sflag:s7] =	ssyncset.done @!p1 $0x0;
	p3 =	slt.s32 @!p2 s0, $0x27080  }
0x79: {  	[sflag:s7] =	ssyncadd.s32 @!p1 $0xFFFFE000;
	s7 =	simm.s32 @!p1 $0x4;
	p3 =	por !p3, p2  }
0x7a: {  	s12 =	sadd.s32 s23, s19;
	_ =	swait.ge @!p1 [sflag:s7], $0x2000;
	s0 =	simm.s32 @p3 $0x27080  }
0x7b: {  	s8 =	simm.s32 @!p2 $0x280;
	[sflag:s7] =	ssyncset.done @!p1 $0x0;
	s0 =	sshrl.u32 @!p2 s0, $0x3  }
0x7c: {  	[sflag:s7] =	ssyncadd.s32 @!p1 $0xFFFFE000;
	s7 =	simm.s32 @!p2 $0x0;
	s0 =	sadd.s32 @!p2 s2, s0  }
0x7d: {  	[tilespmem:s8], [sflag:$0x6] =	stream.linear.gather @!p2 [hbm4b:s0+s7], $0x80, $0x38;
	[tilespmem:$0x12300] =	vst v63  }
0x7e: {  	s14 =	ssub.s32 s22, s12;
	s7 =	ssub.s32 s21, s12  }
0x7f: {  	p2 =	slt.s32 s14, $0x80;
	p1 =	sgt.s32 s7, $0x0  }
0x80: {  	s14 =	simm.s32 @!p2 $0x80;
	s7 =	simm.s32 @!p1 $0x0  }
0x81: {  	p1 =	sge.s32 s7, s14  }
.Ltmp7:
0x82: {  	_ = 	snop;
	(pc) =	sbr.rel @p1 .LBB2_15-.Ltmp7, $1  }
0x83: {  	_ =	sdelay $0x3  }
.Ltmp8:
0x84: {  	(pc) =	sbr.rel .LBB2_17-.Ltmp8, $3  }
0x85: {  	_ =	sdelay $0x1  }
0x86: {  	p1 =	sgt.s32 s1, $0x0;
	s15 =	smov.u32 s1  }
0x87: {  	s15 =	simm.s32 @!p1 $0x0  }
.LBB2_8:
0x88: {  	v15 =	vmovc v7;
	v16 =	vmov v8;
	v17 =	vmov v6;
	v18 =	vmov v9  }
.LBB2_12:
0x89: {  	v19 =	vld [tilespmem:s13+$0xFFFFFFD0]  }
0x8a: {  	v20 =	vld [tilespmem:s13+$0xFFFFFFE0]  }
0x8b: {  	v21 =	vld [tilespmem:s13+$0xFFFFFFF0]  }
0x8c: {  	v22 =	vld [tilespmem:s13+$0x0]  }
0x8d: {  	v23 =	vld [tilespmem:s13+$0x10]  }
0x8e: {  	v24 =	vld [tilespmem:s13+$0x20]  }
0x8f: {  	v11 =	vmax.bf16 @p3 v15, v11;
	v63 =	vld [tilespmem:s13+$0xFFFFFFC0]  }
0x90: {  	v12 =	vmax.bf16 @p3 v16, v12;
	v13 =	vmax.bf16 @p3 v17, v13;
	v14 =	vmax.bf16 @p3 v18, v14  }
0x91: {  	v2 =	vmax.bf16 v2, v10;
	v7 =	vpsel p3, v11, v7;
	v8 =	vpsel p3, v12, v8  }
0x92: {  	v6 =	vpsel p3, v13, v6;
	v9 =	vpsel p3, v14, v9;
	v5 =	vmax.bf16 v5, v19  }
0x93: {  	v4 =	vmax.bf16 v4, v20;
	v3 =	vmax.bf16 v3, v21;
	v7 =	vmax.bf16 v7, v22  }
0x94: {  	v8 =	vmax.bf16 v8, v23;
	v6 =	vmax.bf16 v6, v24;
	v9 =	vmax.bf16 v9, v63  }
.LBB2_13:
0x95: {  	p3 =	sgt.s32 s8, s7  }
0x96: {  	s7 =	smov.u32 @p3 s8  }
0x97: {  	p3 =	sge.s32 s7, s14  }
0x98: {  	s8 =	sshll.u32 @!p3 s25, $0x9  }
0x99: {  	s8 =	sshra.s32 @!p3 s8, $0x2  }
0x9a: {  	[tilespmem:s8+$0x8300] =	vst @!p3 v9  }
0x9b: {  	[tilespmem:s8+$0x8310] =	vst @!p3 v5  }
0x9c: {  	[tilespmem:s8+$0x8320] =	vst @!p3 v4  }
0x9d: {  	[tilespmem:s8+$0x8330] =	vst @!p3 v3  }
0x9e: {  	[tilespmem:s8+$0x8340] =	vst @!p3 v7  }
0x9f: {  	[tilespmem:s8+$0x8350] =	vst @!p3 v8  }
0xa0: {  	[tilespmem:s8+$0x8360] =	vst @!p3 v6  }
0xa1: {  	[tilespmem:s8+$0x8370] =	vst @!p3 v2  }
0xa2: {  	v10 =	vld.idx.msk [tilespmem:v1+s25+$0x2 ss:$0x1], $0xffff;
	_ =	sdelay $0x4  }
0xa3: {  	(v2sf) =	vpush v10, $0x0;
	_ =	sdelay $0x9  }
0xa4: {  	p4 =	slt.s32 s7, s14  }
.Ltmp9:
0xa5: {  	_ = 	snop;
	(pc) =	sbr.rel @!p4 .LBB2_14-.Ltmp9, $4  }
0xa6: {  	_ = 	snop  }
0xa7: {  	v2 =	vpsel !p3, $0xFF80FF80, v2;
	v6 =	vpsel !p3, $0xFF80FF80, v6;
	s8 =	simm.s32 $0x1  }
0xa8: {  	v8 =	vpsel !p3, $0xFF80FF80, v8;
	v7 =	vpsel !p3, $0xFF80FF80, v7;
	v3 =	vpsel !p3, $0xFF80FF80, v3;
	s8 =	simm.s32 @!p4 $0x0  }
0xa9: {  	v4 =	vpsel !p3, $0xFF80FF80, v4;
	v5 =	vpsel !p3, $0xFF80FF80, v5;
	v9 =	vpsel !p3, $0xFF80FF80, v9;
	s25 =	sadd.s32 s8, s25;
	s8 =	smov.u32 s7;
	s13 =	spop (v2sf)  }
.LBB2_6:
0xaa: {  	s7 =	ssub.s32 s13, s19  }
0xab: {  	p3 =	slt.s32 s14, s7  }
0xac: {  	s7 =	smov.u32 @p3 s14  }
0xad: {  	p3 =	sle.s32 s7, s8  }
.Ltmp10:
0xae: {  	_ = 	snop;
	(pc) =	sbr.rel @p3 .LBB2_13-.Ltmp10, $2  }
0xaf: {  	_ =	sdelay $0x2  }
0xb0: {  	s17 =	smov.u32 s13  }
0xb1: {  	s9 =	sadd.s32 s17, s28  }
0xb2: {  	p3 =	slt.s32 s24, s9  }
0xb3: {  	s9 =	smov.u32 @p3 s24  }
0xb4: {  	p3 =	slt.s32 s9, $0x80  }
0xb5: {  	s9 =	simm.s32 @!p3 $0x80  }
0xb6: {  	p3 =	sgt.s32 s8, s9  }
0xb7: {  	s9 =	smov.u32 @p3 s8  }
0xb8: {  	s9 =	ssub.s32 s9, s8  }
0xb9: {  	p4 =	sne.s32 s9, $0x1  }
.Ltmp11:
0xba: {  	s13 =	sadd.s32 s8, s0;
	(pc) =	sbr.rel @!p4 .LBB2_8-.Ltmp11, $4  }
0xbb: {  	s13 =	sshll.u32 s13, $0x9  }
0xbc: {  	s13 =	sshra.s32 s13, $0x2  }
0xbd: {  	s13 =	sadd.s32 $0x340, s13  }
0xbe: {  	v10 =	vld [tilespmem:s13+$0x30];
	p3 =	por $0x0, $0x0;
	s9 =	sadd.s32 $0xFFFFFFFF, s9  }
0xbf: {  	v15 =	vld [tilespmem:s13+$0xFFFFFFD0]  }
0xc0: {  	v16 =	vld [tilespmem:s13+$0xFFFFFFE0]  }
0xc1: {  	v17 =	vld [tilespmem:s13+$0xFFFFFFF0];
	p4 =	sne.s32 s9, $0x1  }
.Ltmp12:
0xc2: {  	v11 =	vld [tilespmem:s13+$0x0];
	(pc) =	sbr.rel @!p4 .LBB2_10-.Ltmp12, $4  }
0xc3: {  	v12 =	vld [tilespmem:s13+$0x10]  }
0xc4: {  	v13 =	vld [tilespmem:s13+$0x20]  }
0xc5: {  	v14 =	vld [tilespmem:s13+$0xFFFFFFC0];
	s13 =	sadd.s32 $0x80, s13;
	v18 =	vmov v9;
	v2 =	vmax.bf16 v2, v10;
	v5 =	vmax.bf16 v5, v15  }
0xc6: {  	s9 =	sadd.s32 $0xFFFFFFFF, s9;
	p3 =	por $0x1, $0x1;
	v10 =	vld [tilespmem:s13+$0x30];
	v4 =	vmax.bf16 v4, v16;
	v3 =	vmax.bf16 v3, v17;
	v15 =	vmovc v7;
	v16 =	vmovc v8;
	v17 =	vmov v6  }
.LBB2_11:
0xc7: {  	p4 =	sne.s32 s9, $0x1;
	v19 =	vld [tilespmem:s13+$0xFFFFFFD0];
	v15 =	vmax.bf16 v15, v11  }
0xc8: {  	v16 =	vmax.bf16 v16, v12;
	v20 =	vld [tilespmem:s13+$0xFFFFFFE0]  }
0xc9: {  	v17 =	vmax.bf16 v17, v13;
	v21 =	vld [tilespmem:s13+$0xFFFFFFF0]  }
.Ltmp13:
0xca: {  	v18 =	vmax.bf16 v18, v14;
	v11 =	vld [tilespmem:s13+$0x0];
	(pc) =	sbr.rel @p4 .LBB2_11-.Ltmp13, $4  }
0xcb: {  	v2 =	vmax.bf16 v2, v10;
	v12 =	vld [tilespmem:s13+$0x10]  }
0xcc: {  	v5 =	vmax.bf16 v5, v19;
	v13 =	vld [tilespmem:s13+$0x20]  }
0xcd: {  	v14 =	vld [tilespmem:s13+$0xFFFFFFC0];
	v4 =	vmax.bf16 v4, v20;
	s13 =	sadd.s32 $0x80, s13  }
0xce: {  	s9 =	sadd.s32 $0xFFFFFFFF, s9;
	v10 =	vld [tilespmem:s13+$0x30];
	v3 =	vmax.bf16 v3, v21  }
.Ltmp14:
0xcf: {  	_ = 	snop;
	(pc) =	sbr.rel .LBB2_12-.Ltmp14, $1  }
0xd0: {  	_ =	sdelay $0x3  }
.LBB2_10:
.Ltmp15:
0xd1: {  	(pc) =	sbr.rel .LBB2_12-.Ltmp15, $2  }
0xd2: {  	_ =	sdelay $0x2  }
0xd3: {  	v15 =	vmovc v7;
	v16 =	vmov v8;
	v17 =	vmov v6;
	v18 =	vmov v9  }
.LBB2_19:
0xd4: {  	v15 =	vmovc v7;
	v16 =	vmov v8;
	v17 =	vmov v6;
	v18 =	vmov v9  }
.LBB2_23:
0xd5: {  	v19 =	vld [tilespmem:s8+$0xFFFFFFD0]  }
0xd6: {  	v20 =	vld [tilespmem:s8+$0xFFFFFFE0]  }
0xd7: {  	v21 =	vld [tilespmem:s8+$0xFFFFFFF0]  }
0xd8: {  	v22 =	vld [tilespmem:s8+$0x0]  }
0xd9: {  	v23 =	vld [tilespmem:s8+$0x10]  }
0xda: {  	v24 =	vld [tilespmem:s8+$0x20]  }
0xdb: {  	v11 =	vmax.bf16 @p1 v15, v11;
	v63 =	vld [tilespmem:s8+$0xFFFFFFC0]  }
0xdc: {  	v12 =	vmax.bf16 @p1 v16, v12;
	v13 =	vmax.bf16 @p1 v17, v13;
	v14 =	vmax.bf16 @p1 v18, v14  }
0xdd: {  	v2 =	vmax.bf16 v2, v10;
	v7 =	vpsel p1, v11, v7;
	v8 =	vpsel p1, v12, v8  }
0xde: {  	v6 =	vpsel p1, v13, v6;
	v9 =	vpsel p1, v14, v9;
	v5 =	vmax.bf16 v5, v19  }
0xdf: {  	v4 =	vmax.bf16 v4, v20;
	v3 =	vmax.bf16 v3, v21;
	v7 =	vmax.bf16 v7, v22  }
0xe0: {  	v8 =	vmax.bf16 v8, v23;
	v6 =	vmax.bf16 v6, v24;
	v9 =	vmax.bf16 v9, v63  }
.LBB2_24:
0xe1: {  	p1 =	sgt.s32 s7, s0  }
0xe2: {  	s0 =	smov.u32 @p1 s7  }
0xe3: {  	p1 =	sge.s32 s0, s14  }
0xe4: {  	s7 =	sshll.u32 @!p1 s25, $0x9  }
0xe5: {  	s7 =	sshra.s32 @!p1 s7, $0x2  }
0xe6: {  	[tilespmem:s7+$0x8300] =	vst @!p1 v9  }
0xe7: {  	[tilespmem:s7+$0x8310] =	vst @!p1 v5  }
0xe8: {  	[tilespmem:s7+$0x8320] =	vst @!p1 v4  }
0xe9: {  	[tilespmem:s7+$0x8330] =	vst @!p1 v3  }
0xea: {  	[tilespmem:s7+$0x8340] =	vst @!p1 v7  }
0xeb: {  	[tilespmem:s7+$0x8350] =	vst @!p1 v8  }
0xec: {  	[tilespmem:s7+$0x8360] =	vst @!p1 v6  }
0xed: {  	[tilespmem:s7+$0x8370] =	vst @!p1 v2  }
0xee: {  	v10 =	vld.idx.msk [tilespmem:v1+s25+$0x2 ss:$0x1], $0xffff;
	_ =	sdelay $0x4  }
0xef: {  	(v2sf) =	vpush v10, $0x0;
	_ =	sdelay $0x9  }
0xf0: {  	p2 =	slt.s32 s0, s14  }
.Ltmp16:
0xf1: {  	_ = 	snop;
	(pc) =	sbr.rel @!p2 .LBB2_25-.Ltmp16, $4  }
0xf2: {  	_ = 	snop  }
0xf3: {  	v2 =	vpsel !p1, $0xFF80FF80, v2;
	v6 =	vpsel !p1, $0xFF80FF80, v6;
	s7 =	simm.s32 $0x1  }
0xf4: {  	v8 =	vpsel !p1, $0xFF80FF80, v8;
	v7 =	vpsel !p1, $0xFF80FF80, v7;
	v3 =	vpsel !p1, $0xFF80FF80, v3;
	s7 =	simm.s32 @!p2 $0x0  }
0xf5: {  	v4 =	vpsel !p1, $0xFF80FF80, v4;
	v5 =	vpsel !p1, $0xFF80FF80, v5;
	v9 =	vpsel !p1, $0xFF80FF80, v9;
	s25 =	sadd.s32 s7, s25;
	s7 =	smov.u32 s0;
	s17 =	spop (v2sf)  }
.LBB2_17:
0xf6: {  	s0 =	ssub.s32 s17, s12  }
0xf7: {  	p1 =	slt.s32 s14, s0  }
0xf8: {  	s0 =	smov.u32 @p1 s14  }
0xf9: {  	p1 =	sle.s32 s0, s7  }
.Ltmp17:
0xfa: {  	_ = 	snop;
	(pc) =	sbr.rel @p1 .LBB2_24-.Ltmp17, $2  }
0xfb: {  	_ =	sdelay $0x2  }
0xfc: {  	s13 =	smov.u32 s17  }
0xfd: {  	s8 =	sadd.s32 s13, s30  }
0xfe: {  	p1 =	slt.s32 s29, s8  }
0xff: {  	s8 =	smov.u32 @p1 s29  }
0x100: {  	p1 =	slt.s32 s8, $0x80  }
0x101: {  	s8 =	simm.s32 @!p1 $0x80  }
0x102: {  	p1 =	sgt.s32 s7, s8  }
0x103: {  	s8 =	smov.u32 @p1 s7  }
0x104: {  	s17 =	ssub.s32 s8, s7  }
0x105: {  	p2 =	sne.s32 s17, $0x1  }
.Ltmp18:
0x106: {  	s9 =	sadd.s32 s7, s15;
	(pc) =	sbr.rel @!p2 .LBB2_19-.Ltmp18, $4  }
0x107: {  	s9 =	sshll.u32 s9, $0x9  }
0x108: {  	s19 =	sshra.s32 s9, $0x2  }
0x109: {  	s8 =	sadd.s32 $0x4340, s19  }
0x10a: {  	p1 =	por $0x0, $0x0;
	v10 =	vld [tilespmem:s8+$0x30];
	s9 =	sadd.s32 $0xFFFFFFFF, s17  }
0x10b: {  	v15 =	vld [tilespmem:s8+$0xFFFFFFD0]  }
0x10c: {  	v16 =	vld [tilespmem:s8+$0xFFFFFFE0]  }
0x10d: {  	v17 =	vld [tilespmem:s8+$0xFFFFFFF0];
	p2 =	sne.s32 s9, $0x1  }
.Ltmp19:
0x10e: {  	v11 =	vld [tilespmem:s8+$0x0];
	(pc) =	sbr.rel @!p2 .LBB2_21-.Ltmp19, $4  }
0x10f: {  	v12 =	vld [tilespmem:s8+$0x10]  }
0x110: {  	v13 =	vld [tilespmem:s8+$0x20]  }
0x111: {  	v14 =	vld [tilespmem:s8+$0xFFFFFFC0];
	s8 =	sadd.s32 $0x80, s8;
	v18 =	vmov v9;
	v2 =	vmax.bf16 v2, v10;
	v5 =	vmax.bf16 v5, v15  }
0x112: {  	s9 =	sadd.s32 $0xFFFFFFFF, s9;
	p1 =	por $0x1, $0x1;
	v10 =	vld [tilespmem:s8+$0x30];
	v4 =	vmax.bf16 v4, v16;
	v3 =	vmax.bf16 v3, v17;
	v15 =	vmovc v7;
	v16 =	vmovc v8;
	v17 =	vmov v6  }
.LBB2_22:
0x113: {  	p2 =	sne.s32 s9, $0x1;
	v19 =	vld [tilespmem:s8+$0xFFFFFFD0];
	v15 =	vmax.bf16 v15, v11  }
0x114: {  	v16 =	vmax.bf16 v16, v12;
	v20 =	vld [tilespmem:s8+$0xFFFFFFE0]  }
0x115: {  	v17 =	vmax.bf16 v17, v13;
	v21 =	vld [tilespmem:s8+$0xFFFFFFF0]  }
.Ltmp20:
0x116: {  	v18 =	vmax.bf16 v18, v14;
	v11 =	vld [tilespmem:s8+$0x0];
	(pc) =	sbr.rel @p2 .LBB2_22-.Ltmp20, $4  }
0x117: {  	v2 =	vmax.bf16 v2, v10;
	v12 =	vld [tilespmem:s8+$0x10]  }
0x118: {  	v5 =	vmax.bf16 v5, v19;
	v13 =	vld [tilespmem:s8+$0x20]  }
0x119: {  	v14 =	vld [tilespmem:s8+$0xFFFFFFC0];
	v4 =	vmax.bf16 v4, v20;
	s8 =	sadd.s32 $0x80, s8  }
0x11a: {  	s9 =	sadd.s32 $0xFFFFFFFF, s9;
	v10 =	vld [tilespmem:s8+$0x30];
	v3 =	vmax.bf16 v3, v21  }
.Ltmp21:
0x11b: {  	_ = 	snop;
	(pc) =	sbr.rel .LBB2_23-.Ltmp21, $1  }
0x11c: {  	_ =	sdelay $0x3  }
.LBB2_21:
.Ltmp22:
0x11d: {  	(pc) =	sbr.rel .LBB2_23-.Ltmp22, $2  }
0x11e: {  	_ =	sdelay $0x2  }
0x11f: {  	v15 =	vmovc v7;
	v16 =	vmov v8;
	v17 =	vmov v6;
	v18 =	vmov v9  }
.LBB2_26:
0x120: {  	s0 =	sshll.u32 s25, $0x9  }
0x121: {  	s0 =	sshra.s32 s0, $0x2  }
0x122: {  	[tilespmem:s0+$0x8300] =	vst v9  }
0x123: {  	s1 =	sadd.s32 $0x1, s25;
	[tilespmem:s0+$0x8310] =	vst v5  }
0x124: {  	p1 =	sgt.s32 s1, $0x13F;
	[tilespmem:s0+$0x8320] =	vst v4  }
.Ltmp23:
0x125: {  	[tilespmem:s0+$0x8330] =	vst v3;
	(pc) =	sbr.rel @p1 .LBB2_30-.Ltmp23, $4  }
0x126: {  	[tilespmem:s0+$0x8340] =	vst v7  }
0x127: {  	[tilespmem:s0+$0x8350] =	vst v8  }
0x128: {  	[tilespmem:s0+$0x8360] =	vst v6  }
0x129: {  	[tilespmem:s0+$0x8370] =	vst v2  }
0x12a: {  	s0 =	sadd.s32 $0x83F0, s0  }
0x12b: {  	s1 =	ssub.s32 $0x13F, s25;
	[tilespmem:s0+$0xFFFFFF90] =	vst v0  }
0x12c: {  	[tilespmem:s0+$0x0] =	vst v0;
	p1 =	sne.s32 s1, $0x1  }
.Ltmp24:
0x12d: {  	[tilespmem:s0+$0xFFFFFFF0] =	vst v0;
	(pc) =	sbr.rel @!p1 .LBB2_29-.Ltmp24, $4  }
0x12e: {  	[tilespmem:s0+$0xFFFFFFE0] =	vst v0  }
0x12f: {  	[tilespmem:s0+$0xFFFFFFD0] =	vst v0  }
0x130: {  	[tilespmem:s0+$0xFFFFFFC0] =	vst v0  }
0x131: {  	s1 =	sadd.s32 $0xFFFFFFFF, s1;
	[tilespmem:s0+$0xFFFFFFB0] =	vst v0  }
.LBB2_28:
0x132: {  	p1 =	sne.s32 s1, $0x1;
	s1 =	sadd.s32 $0xFFFFFFFF, s1;
	[tilespmem:s0+$0xFFFFFFA0] =	vst v0;
	s0 =	sadd.s32 $0x80, s0  }
0x133: {  	[tilespmem:s0+$0xFFFFFF90] =	vst v0  }
0x134: {  	[tilespmem:s0+$0x0] =	vst v0  }
.Ltmp25:
0x135: {  	[tilespmem:s0+$0xFFFFFFF0] =	vst v0;
	(pc) =	sbr.rel @p1 .LBB2_28-.Ltmp25, $4  }
0x136: {  	[tilespmem:s0+$0xFFFFFFE0] =	vst v0  }
0x137: {  	[tilespmem:s0+$0xFFFFFFD0] =	vst v0  }
0x138: {  	[tilespmem:s0+$0xFFFFFFC0] =	vst v0  }
0x139: {  	[tilespmem:s0+$0xFFFFFFB0] =	vst v0  }
.Ltmp26:
0x13a: {  	_ = 	snop;
	(pc) =	sbr.rel .LBB2_29-.Ltmp26, $1  }
0x13b: {  	_ =	sdelay $0x3  }
.LBB2_31:
0x13c: {  	_ =	sfence.sel $0x180000  }
0x13d: {  	[bflag:$0x0] =	sbarrier.arrive $0xFFFF  }
0x13e: {  	_ =	strace $0x90000047  }
0x13f: {  	s0 =	stileid.u32;
	[bflag:$0x2] =	sbarrier.arrive $0xFFFF  }
0x140: {  	p0 =	sne.s32 s0, $0x0;
	s0 =	rddreg [dreg:$0x4]  }
0x141: {  	s0 =	sadd.s32 @!p0 $0x100000, s0  }
0x142: {  	[sflag:s0] =	ssyncadd.tile.s32 @!p0 $0x1;
	_ =	shalt  }
.Lfunc_end2:
_tile_overlayer_lowered:
.L_overlay_start_2:
0x143: {  	(tag) =	ssettag $0x2  }
0x144: {  	s0 =	rddreg [dreg:$0x0];
	s2 =	stileid.u32  }
0x145: {  	s1 =	rddreg [dreg:$0x1];
	p0 =	sne.s32 s2, $0x0  }
0x146: {  	s3 =	rddreg [dreg:$0x2];
	[bflag:$0x3] =	sbarrier.arrive $0xFFFF;
	s2 =	simm.s32 @!p0 $0x1C07  }
0x147: {  	[timem:s3], [sflag:s2] =	dma.local @!p0 [hbm:s0], s1  }
0x148: {  	s0 =	simm.s32 @!p0 $0x7  }
0x149: {  	_ =	swait.ge @!p0 [sflag:s0], s1  }
0x14a: {  	s1 =	ssub.s32 @!p0 $0x0, s1;
	[sflag:s0] =	ssyncset.done @!p0 $0x0  }
0x14b: {  	[sflag:s0] =	ssyncadd.s32 @!p0 s1  }
0x14c: {  	[bflag:$0x3] =	sbarrier.arrive $0xFFFF  }
0x14d: {  	_ =	shalt  }

</sc_bundles>
